<compile_context>
chip_gen: v7x
topology: tpu7x:2x2x1
jax: 0.10.2.dev20260603
libtpu: 0.0.44.dev20260713+nightly
codegen_flags: <defaults>
</compile_context>

<pallas_src>
import functools

import jax
import jax.numpy as jnp
from jax import lax
from jax.experimental import pallas as pl
from jax.experimental.pallas import tpu as pltpu
from jax.experimental.pallas import tpu_sc as plsc

_N = 100000
_E = 1600000
_D = 16
_CHUNK = 128
_G = 8
_NW = 32
_NCHUNK = 12512
_EP = _NCHUNK * _CHUNK
_NGROUP = _NCHUNK // _G
_NITER = -(-_NGROUP // _NW)

_ROWS = _E // 8
_BR = 4000


def _sc_gather_body(src2d, tgt2d, table, fsrc, ftgt,
                    idx_s, idx_t, rows_s, rows_t, sem_s, sem_t):
    wid = lax.axis_index("s") * 2 + lax.axis_index("c")

    def body(i, carry):
        g = wid + i * _NW

        @pl.when(g < _NGROUP)
        def _():
            crow = g * _G
            base = g * _G * _CHUNK
            pltpu.sync_copy(src2d.at[pl.ds(crow, _G)], idx_s)
            pltpu.sync_copy(tgt2d.at[pl.ds(crow, _G)], idx_t)
            cps = []
            for j in range(_G):
                cps.append(pltpu.async_copy(
                    table.at[idx_s.at[j]],
                    rows_s.at[pl.ds(j * _CHUNK, _CHUNK)], sem_s))
                cps.append(pltpu.async_copy(
                    table.at[idx_t.at[j]],
                    rows_t.at[pl.ds(j * _CHUNK, _CHUNK)], sem_t))
            for cp in cps:
                cp.wait()
            pltpu.sync_copy(rows_s, fsrc.at[pl.ds(base, _G * _CHUNK)])
            pltpu.sync_copy(rows_t, ftgt.at[pl.ds(base, _G * _CHUNK)])

        return carry

    lax.fori_loop(0, _NITER, body, 0)


@functools.cache
def _sc_gather_kernel():
    return pl.kernel(
        _sc_gather_body,
        out_type=[jax.ShapeDtypeStruct((_EP, _D), jnp.float32),
                  jax.ShapeDtypeStruct((_EP, _D), jnp.float32)],
        mesh=plsc.VectorSubcoreMesh(core_axis_name="c", subcore_axis_name="s"),
        compiler_params=pltpu.CompilerParams(use_tc_tiling_on_sc=False),
        scratch_types=[
            pltpu.VMEM((_G, _CHUNK), jnp.int32),
            pltpu.VMEM((_G, _CHUNK), jnp.int32),
            pltpu.VMEM((_G * _CHUNK, _D), jnp.float32),
            pltpu.VMEM((_G * _CHUNK, _D), jnp.float32),
            pltpu.SemaphoreType.DMA,
            pltpu.SemaphoreType.DMA,
        ],
    )


def _mlp_body(fs, ft, a, u0, u1, w1, s, w2, w3, w4, b1, b2, b3, b4, out):
    f = jnp.concatenate([fs[...], ft[...]], axis=1)
    h = jnp.dot(f, w1[...], preferred_element_type=jnp.float32)
    h = h + jnp.dot(a[...], s[...], preferred_element_type=jnp.float32)
    h = jax.nn.relu(h + b1[...])
    h = jax.nn.relu(jnp.dot(h, w2[...], preferred_element_type=jnp.float32)
                    + b2[...])
    h = jax.nn.relu(jnp.dot(h, w3[...], preferred_element_type=jnp.float32)
                    + b3[...])
    z = jnp.dot(h, w4[...], preferred_element_type=jnp.float32) + b4[...]
    g0 = -jnp.log(-jnp.log(u0[...]))
    g1 = -jnp.log(-jnp.log(u1[...]))
    z0 = z[:, 0:8] + g0
    z1 = z[:, 8:16] + g1
    out[...] = (z1 > z0).astype(jnp.float32)


def _mlp_call(fs, ft, a, u0, u1, w1, s, w2, w3, w4, b1, b2, b3, b4):
    row = lambda i: (i, 0)
    cst = lambda i: (0, 0)
    return pl.pallas_call(
        _mlp_body,
        grid=(_ROWS // _BR,),
        in_specs=[
            pl.BlockSpec((_BR, 128), row),
            pl.BlockSpec((_BR, 128), row),
            pl.BlockSpec((_BR, 8), row),
            pl.BlockSpec((_BR, 8), row),
            pl.BlockSpec((_BR, 8), row),
            pl.BlockSpec((256, 240), cst),
            pl.BlockSpec((8, 240), cst),
            pl.BlockSpec((240, 240), cst),
            pl.BlockSpec((240, 240), cst),
            pl.BlockSpec((240, 16), cst),
            pl.BlockSpec((1, 240), cst),
            pl.BlockSpec((1, 240), cst),
            pl.BlockSpec((1, 240), cst),
            pl.BlockSpec((1, 16), cst),
        ],
        out_specs=pl.BlockSpec((_BR, 8), row),
        out_shape=jax.ShapeDtypeStruct((_ROWS, 8), jnp.float32),
    )(fs, ft, a, u0, u1, w1, s, w2, w3, w4, b1, b2, b3, b4)


def _pack_weights(W1, b1, W2, b2, W3, b3, W4, b4):
    from jax.scipy.linalg import block_diag
    ws = jnp.pad(W1[0:6], ((0, 10), (0, 0)))
    wt = jnp.pad(W1[6:12], ((0, 10), (0, 0)))
    w1p = jnp.concatenate([block_diag(*([ws] * 8)),
                           block_diag(*([wt] * 8))], axis=0)
    sp = block_diag(*([W1[12:13]] * 8))
    w2p = block_diag(*([W2] * 8))
    w3p = block_diag(*([W3] * 8))
    w4p = block_diag(*([W4] * 8))
    perm = jnp.arange(16).reshape(8, 2).T.reshape(16)
    w4p = w4p[:, perm]
    b1t = jnp.tile(b1, 8)[None, :]
    b2t = jnp.tile(b2, 8)[None, :]
    b3t = jnp.tile(b3, 8)[None, :]
    b4t = jnp.concatenate([jnp.repeat(b4[0:1], 8), jnp.repeat(b4[1:2], 8)])[None, :]
    return w1p, sp, w2p, w3p, w4p, b1t, b2t, b3t, b4t


def kernel(x, token, edge_attr, edge_index, W1, b1, W2, b2, W3, b3, W4, b4):
    xt = jnp.concatenate([x, token], axis=-1)
    table = jnp.pad(xt, ((0, 0), (0, _D - xt.shape[1])))
    src2d = jnp.pad(edge_index[0], (0, _EP - _E)).reshape(_NCHUNK, _CHUNK)
    tgt2d = jnp.pad(edge_index[1], (0, _EP - _E)).reshape(_NCHUNK, _CHUNK)

    fsrc, ftgt = _sc_gather_kernel()(src2d, tgt2d, table)
    fs = fsrc.reshape(_EP * _D // 128, 128)
    ft = ftgt.reshape(_EP * _D // 128, 128)

    a = edge_attr.reshape(_ROWS, 8)
    u = jax.random.uniform(jax.random.key(42), (_E, 2), jnp.float32,
                           1e-6, 1.0 - 1e-6)
    u0 = u[:, 0].reshape(_ROWS, 8)
    u1 = u[:, 1].reshape(_ROWS, 8)

    packed = _pack_weights(W1, b1, W2, b2, W3, b3, W4, b4)
    out = _mlp_call(fs, ft, a, u0, u1, *packed)
    return out.reshape(_E, 1)

# --- scband reference (transcript-rebuilt; emitter-appended) ---
"""Pipeline reference for scband-graph-generator-63952063038068 (READ-ONLY COPY).

The authoritative reference and input builder live on the scoring server;
editing this copy changes nothing except your own understanding.
"""

import jax, jax.numpy as jnp
import numpy as np

N_NODES = 100000
N_EDGES = 1600000


def setup_inputs(seed: int = 0) -> dict:
    key = jax.random.key(seed)
    ks = jax.random.split(key, 12)
    x = jax.random.normal(ks[0], (N_NODES, 1), dtype=jnp.float32)
    token = jax.random.normal(ks[1], (N_NODES, 5), dtype=jnp.float32)
    edge_attr = jax.random.normal(ks[2], (N_EDGES, 1), dtype=jnp.float32)
    edge_index = jax.random.randint(ks[3], (2, N_EDGES), 0, N_NODES, dtype=jnp.int32)
    # EdgeMLP params: in = 2*(node_dim+token_dim) + edge_dim = 2*6 + 1 = 13, hidden=30, out=2
    W1 = jax.random.normal(ks[4], (13, 30), dtype=jnp.float32) * 0.2
    b1 = jnp.zeros((30,), dtype=jnp.float32)
    W2 = jax.random.normal(ks[5], (30, 30), dtype=jnp.float32) * 0.2
    b2 = jnp.zeros((30,), dtype=jnp.float32)
    W3 = jax.random.normal(ks[6], (30, 30), dtype=jnp.float32) * 0.2
    b3 = jnp.zeros((30,), dtype=jnp.float32)
    W4 = jax.random.normal(ks[7], (30, 2), dtype=jnp.float32) * 0.2
    b4 = jnp.zeros((2,), dtype=jnp.float32)
    return {"x": x, "token": token, "edge_attr": edge_attr, "edge_index": edge_index,
            "W1": W1, "b1": b1, "W2": W2, "b2": b2, "W3": W3, "b3": b3, "W4": W4, "b4": b4}


def reference(x, token, edge_attr, edge_index, W1, b1, W2, b2, W3, b3, W4, b4):
    # GraphGenerator.generate_graph with token_enabled=True
    xt = jnp.concatenate([x, token], axis=-1)  # [N, node_dim+token_dim]
    src = edge_index[0]
    tgt = edge_index[1]
    x_src = jnp.take(xt, src, axis=0)  # gather [E, 6]
    x_tgt = jnp.take(xt, tgt, axis=0)  # gather [E, 6]
    edge_features = jnp.concatenate([x_src, x_tgt, edge_attr], axis=-1)  # [E, 13]
    h = jax.nn.relu(edge_features @ W1 + b1)
    h = jax.nn.relu(h @ W2 + b2)
    h = jax.nn.relu(h @ W3 + b3)
    edge_logits = h @ W4 + b4  # [E, 2]
    # F.gumbel_softmax(logits, tau=1.0, hard=True) with a fixed key for determinism
    u = jax.random.uniform(jax.random.key(42), edge_logits.shape, dtype=edge_logits.dtype,
                           minval=1e-6, maxval=1.0 - 1e-6)
    gumbels = -jnp.log(-jnp.log(u))
    y_soft = jax.nn.softmax((edge_logits + gumbels) / 1.0, axis=-1)
    idx = jnp.argmax(y_soft, axis=-1)
    y_hard = jax.nn.one_hot(idx, 2, dtype=y_soft.dtype)
    edge_values = y_hard + y_soft - jax.lax.stop_gradient(y_soft)  # straight-through
    binary_edge_values = edge_values[:, 1:2]  # [E, 1]
    return binary_edge_values

if __name__ == "__main__":
    import jax
    _d = setup_inputs()
    print(jax.jit(kernel)(*tuple(_d.values())))

</pallas_src>

<mosaic_0001>
#map = affine_map<(d0, d1) -> (0, 0)>
module attributes {stable_mosaic.version = 14 : i64} {
  func.func @_sc_gather_body(%arg0: i32, %arg1: i32, %arg2: memref<12512x128xi32, #tpu.memory_space<hbm>>, %arg3: memref<12512x128xi32, #tpu.memory_space<hbm>>, %arg4: memref<100000x16xf32, #tpu.memory_space<hbm>>, %arg5: memref<1601536x16xf32, #tpu.memory_space<hbm>>, %arg6: memref<1601536x16xf32, #tpu.memory_space<hbm>>, %arg7: memref<8x128xi32, #tpu.memory_space<vmem>>, %arg8: memref<8x128xi32, #tpu.memory_space<vmem>>, %arg9: memref<1024x16xf32, #tpu.memory_space<vmem>>, %arg10: memref<1024x16xf32, #tpu.memory_space<vmem>>, %arg11: memref<!tpu.dma_semaphore, #tpu.memory_space<semaphore_mem>>, %arg12: memref<!tpu.dma_semaphore, #tpu.memory_space<semaphore_mem>>) attributes {dimension_semantics = [#tpu.dimension_semantics<core_parallel>, #tpu.dimension_semantics<subcore_parallel>], iteration_bounds = array<i64: 2, 16>, scalar_prefetch = 0 : i64, scratch_operands = 6 : i64, tpu.core_type = #tpu.core_type<sc_vector_subcore>, window_params = [{transform_indices = #map}, {transform_indices = #map}, {transform_indices = #map}, {transform_indices = #map}, {transform_indices = #map}]} {
    %mul3A = arith.constant 2 : i32
    %mul3A_0 = arith.muli %arg1, %mul3A : i32
    %add3A = arith.addi %mul3A_0, %arg0 : i32
    %scan3A = arith.constant 0 : i32
    %scan3A_1 = arith.constant 0 : i32
    %scan3A_2 = arith.constant 49 : i32
    %scan3A_3 = arith.addi %scan3A_1, %scan3A_2 : i32
    %scan3A_4 = arith.constant 1 : i32
    scf.for %scan3A_6 = %scan3A_1 to %scan3A_3 step %scan3A_4  : i32 {
      %mul3A_7 = arith.constant 32 : i32
      %mul3A_8 = arith.muli %scan3A_6, %mul3A_7 : i32
      %add3A_9 = arith.addi %add3A, %mul3A_8 : i32
      %lt3A = arith.constant 1564 : i32
      %lt3A_10 = arith.cmpi slt, %add3A_9, %lt3A : i32
      %convert_element_type3A = arith.extui %lt3A_10 : i1 to i32
      %cond3A = arith.constant 0 : i32
      %cond3A_11 = arith.cmpi ne, %convert_element_type3A, %cond3A : i32
      scf.if %cond3A_11 {
        %mul3A_12 = arith.constant 8 : i32
        %mul3A_13 = arith.muli %add3A_9, %mul3A_12 : i32
        %mul3A_14 = arith.constant 8 : i32
        %mul3A_15 = arith.muli %add3A_9, %mul3A_14 : i32
        %mul3A_16 = arith.constant 128 : i32
        %mul3A_17 = arith.muli %mul3A_15, %mul3A_16 : i32
        "tpu.region"() ({
          %run_scoped3A = tpu.sem_alloc : memref<!tpu.dma_semaphore, #tpu.memory_space<semaphore_mem>>
          %dma_start3A_336 = arith.constant 0 : i32
          %dma_start3A_337 = tpu.memref_slice %arg2[%mul3A_13, %dma_start3A_336] : memref<12512x128xi32, #tpu.memory_space<hbm>> -> memref<8x128xi32, #tpu.memory_space<hbm>>
          %dma_start3A_338 = arith.constant 0 : i32
          %dma_start3A_339 = tpu.memref_slice %arg2[%mul3A_13, %dma_start3A_338] : memref<12512x128xi32, #tpu.memory_space<hbm>> -> memref<8x128xi32, #tpu.memory_space<hbm>>
          tpu.enqueue_dma source(%dma_start3A_339 : memref<8x128xi32, #tpu.memory_space<hbm>>) target(%arg7 : memref<8x128xi32, #tpu.memory_space<vmem>>) target_semaphore(%run_scoped3A : memref<!tpu.dma_semaphore, #tpu.memory_space<semaphore_mem>>)
          %dma_wait3A_340 = arith.constant 0 : i32
          %dma_wait3A_341 = tpu.memref_slice %arg2[%mul3A_13, %dma_wait3A_340] : memref<12512x128xi32, #tpu.memory_space<hbm>> -> memref<8x128xi32, #tpu.memory_space<hbm>>
          %dma_wait3A_342 = arith.constant 0 : i32
          %dma_wait3A_343 = tpu.memref_slice %arg2[%mul3A_13, %dma_wait3A_342] : memref<12512x128xi32, #tpu.memory_space<hbm>> -> memref<8x128xi32, #tpu.memory_space<hbm>>
          tpu.wait_dma2 semaphore(%run_scoped3A : memref<!tpu.dma_semaphore, #tpu.memory_space<semaphore_mem>>) src(%dma_wait3A_343 : memref<8x128xi32, #tpu.memory_space<hbm>>) dst(%arg7 : memref<8x128xi32, #tpu.memory_space<vmem>>)
          tpu.yield
        }) : () -> ()
        "tpu.region"() ({
          %run_scoped3A = tpu.sem_alloc : memref<!tpu.dma_semaphore, #tpu.memory_space<semaphore_mem>>
          %dma_start3A_336 = arith.constant 0 : i32
          %dma_start3A_337 = tpu.memref_slice %arg3[%mul3A_13, %dma_start3A_336] : memref<12512x128xi32, #tpu.memory_space<hbm>> -> memref<8x128xi32, #tpu.memory_space<hbm>>
          %dma_start3A_338 = arith.constant 0 : i32
          %dma_start3A_339 = tpu.memref_slice %arg3[%mul3A_13, %dma_start3A_338] : memref<12512x128xi32, #tpu.memory_space<hbm>> -> memref<8x128xi32, #tpu.memory_space<hbm>>
          tpu.enqueue_dma source(%dma_start3A_339 : memref<8x128xi32, #tpu.memory_space<hbm>>) target(%arg8 : memref<8x128xi32, #tpu.memory_space<vmem>>) target_semaphore(%run_scoped3A : memref<!tpu.dma_semaphore, #tpu.memory_space<semaphore_mem>>)
          %dma_wait3A_340 = arith.constant 0 : i32
          %dma_wait3A_341 = tpu.memref_slice %arg3[%mul3A_13, %dma_wait3A_340] : memref<12512x128xi32, #tpu.memory_space<hbm>> -> memref<8x128xi32, #tpu.memory_space<hbm>>
          %dma_wait3A_342 = arith.constant 0 : i32
          %dma_wait3A_343 = tpu.memref_slice %arg3[%mul3A_13, %dma_wait3A_342] : memref<12512x128xi32, #tpu.memory_space<hbm>> -> memref<8x128xi32, #tpu.memory_space<hbm>>
          tpu.wait_dma2 semaphore(%run_scoped3A : memref<!tpu.dma_semaphore, #tpu.memory_space<semaphore_mem>>) src(%dma_wait3A_343 : memref<8x128xi32, #tpu.memory_space<hbm>>) dst(%arg8 : memref<8x128xi32, #tpu.memory_space<vmem>>)
          tpu.yield
        }) : () -> ()
        %dma_start3A = arith.constant 0 : i32
        %dma_start3A_18 = arith.constant 0 : i32
        %dma_start3A_19 = arith.constant 0 : i32
        %dma_start3A_20 = tpu.memref_slice %arg9[%dma_start3A_18, %dma_start3A_19] : memref<1024x16xf32, #tpu.memory_space<vmem>> -> memref<128x16xf32, #tpu.memory_space<vmem>>
        %dma_start3A_21 = arith.constant 0 : i32
        %dma_start3A_22 = tpu.memref_slice %arg7[%dma_start3A, %dma_start3A_21] : memref<8x128xi32, #tpu.memory_space<vmem>> -> memref<1x128xi32, #tpu.memory_space<vmem>>
        %dma_start3A_23 = tpu.memref_squeeze %dma_start3A_22 : memref<1x128xi32, #tpu.memory_space<vmem>> -> memref<128xi32, #tpu.memory_space<vmem>>
        %dma_start3A_24 = arith.constant 0 : i32
        %dma_start3A_25 = arith.constant 0 : i32
        %dma_start3A_26 = tpu.memref_slice %arg4[%dma_start3A_24, %dma_start3A_25] : memref<100000x16xf32, #tpu.memory_space<hbm>> -> memref<100000x16xf32, #tpu.memory_space<hbm>>
        tpu.enqueue_indirect_dma source(%dma_start3A_26 : memref<100000x16xf32, #tpu.memory_space<hbm>>) target(%dma_start3A_20 : memref<128x16xf32, #tpu.memory_space<vmem>>) offsets(%dma_start3A_23 : memref<128xi32, #tpu.memory_space<vmem>>) semaphore(%arg11 : memref<!tpu.dma_semaphore, #tpu.memory_space<semaphore_mem>>)
        %dma_start3A_27 = arith.constant 0 : i32
        %dma_start3A_28 = arith.constant 0 : i32
        %dma_start3A_29 = arith.constant 0 : i32
        %dma_start3A_30 = tpu.memref_slice %arg10[%dma_start3A_28, %dma_start3A_29] : memref<1024x16xf32, #tpu.memory_space<vmem>> -> memref<128x16xf32, #tpu.memory_space<vmem>>
        %dma_start3A_31 = arith.constant 0 : i32
        %dma_start3A_32 = tpu.memref_slice %arg8[%dma_start3A_27, %dma_start3A_31] : memref<8x128xi32, #tpu.memory_space<vmem>> -> memref<1x128xi32, #tpu.memory_space<vmem>>
        %dma_start3A_33 = tpu.memref_squeeze %dma_start3A_32 : memref<1x128xi32, #tpu.memory_space<vmem>> -> memref<128xi32, #tpu.memory_space<vmem>>
        %dma_start3A_34 = arith.constant 0 : i32
        %dma_start3A_35 = arith.constant 0 : i32
        %dma_start3A_36 = tpu.memref_slice %arg4[%dma_start3A_34, %dma_start3A_35] : memref<100000x16xf32, #tpu.memory_space<hbm>> -> memref<100000x16xf32, #tpu.memory_space<hbm>>
        tpu.enqueue_indirect_dma source(%dma_start3A_36 : memref<100000x16xf32, #tpu.memory_space<hbm>>) target(%dma_start3A_30 : memref<128x16xf32, #tpu.memory_space<vmem>>) offsets(%dma_start3A_33 : memref<128xi32, #tpu.memory_space<vmem>>) semaphore(%arg12 : memref<!tpu.dma_semaphore, #tpu.memory_space<semaphore_mem>>)
        %dma_start3A_37 = arith.constant 1 : i32
        %dma_start3A_38 = arith.constant 128 : i32
        %dma_start3A_39 = arith.constant 0 : i32
        %dma_start3A_40 = tpu.memref_slice %arg9[%dma_start3A_38, %dma_start3A_39] : memref<1024x16xf32, #tpu.memory_space<vmem>> -> memref<128x16xf32, #tpu.memory_space<vmem>>
        %dma_start3A_41 = arith.constant 0 : i32
        %dma_start3A_42 = tpu.memref_slice %arg7[%dma_start3A_37, %dma_start3A_41] : memref<8x128xi32, #tpu.memory_space<vmem>> -> memref<1x128xi32, #tpu.memory_space<vmem>>
        %dma_start3A_43 = tpu.memref_squeeze %dma_start3A_42 : memref<1x128xi32, #tpu.memory_space<vmem>> -> memref<128xi32, #tpu.memory_space<vmem>>
        %dma_start3A_44 = arith.constant 0 : i32
        %dma_start3A_45 = arith.constant 0 : i32
        %dma_start3A_46 = tpu.memref_slice %arg4[%dma_start3A_44, %dma_start3A_45] : memref<100000x16xf32, #tpu.memory_space<hbm>> -> memref<100000x16xf32, #tpu.memory_space<hbm>>
        tpu.enqueue_indirect_dma source(%dma_start3A_46 : memref<100000x16xf32, #tpu.memory_space<hbm>>) target(%dma_start3A_40 : memref<128x16xf32, #tpu.memory_space<vmem>>) offsets(%dma_start3A_43 : memref<128xi32, #tpu.memory_space<vmem>>) semaphore(%arg11 : memref<!tpu.dma_semaphore, #tpu.memory_space<semaphore_mem>>)
        %dma_start3A_47 = arith.constant 1 : i32
        %dma_start3A_48 = arith.constant 128 : i32
        %dma_start3A_49 = arith.constant 0 : i32
        %dma_start3A_50 = tpu.memref_slice %arg10[%dma_start3A_48, %dma_start3A_49] : memref<1024x16xf32, #tpu.memory_space<vmem>> -> memref<128x16xf32, #tpu.memory_space<vmem>>
        %dma_start3A_51 = arith.constant 0 : i32
        %dma_start3A_52 = tpu.memref_slice %arg8[%dma_start3A_47, %dma_start3A_51] : memref<8x128xi32, #tpu.memory_space<vmem>> -> memref<1x128xi32, #tpu.memory_space<vmem>>
        %dma_start3A_53 = tpu.memref_squeeze %dma_start3A_52 : memref<1x128xi32, #tpu.memory_space<vmem>> -> memref<128xi32, #tpu.memory_space<vmem>>
        %dma_start3A_54 = arith.constant 0 : i32
        %dma_start3A_55 = arith.constant 0 : i32
        %dma_start3A_56 = tpu.memref_slice %arg4[%dma_start3A_54, %dma_start3A_55] : memref<100000x16xf32, #tpu.memory_space<hbm>> -> memref<100000x16xf32, #tpu.memory_space<hbm>>
        tpu.enqueue_indirect_dma source(%dma_start3A_56 : memref<100000x16xf32, #tpu.memory_space<hbm>>) target(%dma_start3A_50 : memref<128x16xf32, #tpu.memory_space<vmem>>) offsets(%dma_start3A_53 : memref<128xi32, #tpu.memory_space<vmem>>) semaphore(%arg12 : memref<!tpu.dma_semaphore, #tpu.memory_space<semaphore_mem>>)
        %dma_start3A_57 = arith.constant 2 : i32
        %dma_start3A_58 = arith.constant 256 : i32
        %dma_start3A_59 = arith.constant 0 : i32
        %dma_start3A_60 = tpu.memref_slice %arg9[%dma_start3A_58, %dma_start3A_59] : memref<1024x16xf32, #tpu.memory_space<vmem>> -> memref<128x16xf32, #tpu.memory_space<vmem>>
        %dma_start3A_61 = arith.constant 0 : i32
        %dma_start3A_62 = tpu.memref_slice %arg7[%dma_start3A_57, %dma_start3A_61] : memref<8x128xi32, #tpu.memory_space<vmem>> -> memref<1x128xi32, #tpu.memory_space<vmem>>
        %dma_start3A_63 = tpu.memref_squeeze %dma_start3A_62 : memref<1x128xi32, #tpu.memory_space<vmem>> -> memref<128xi32, #tpu.memory_space<vmem>>
        %dma_start3A_64 = arith.constant 0 : i32
        %dma_start3A_65 = arith.constant 0 : i32
        %dma_start3A_66 = tpu.memref_slice %arg4[%dma_start3A_64, %dma_start3A_65] : memref<100000x16xf32, #tpu.memory_space<hbm>> -> memref<100000x16xf32, #tpu.memory_space<hbm>>
        tpu.enqueue_indirect_dma source(%dma_start3A_66 : memref<100000x16xf32, #tpu.memory_space<hbm>>) target(%dma_start3A_60 : memref<128x16xf32, #tpu.memory_space<vmem>>) offsets(%dma_start3A_63 : memref<128xi32, #tpu.memory_space<vmem>>) semaphore(%arg11 : memref<!tpu.dma_semaphore, #tpu.memory_space<semaphore_mem>>)
        %dma_start3A_67 = arith.constant 2 : i32
        %dma_start3A_68 = arith.constant 256 : i32
        %dma_start3A_69 = arith.constant 0 : i32
        %dma_start3A_70 = tpu.memref_slice %arg10[%dma_start3A_68, %dma_start3A_69] : memref<1024x16xf32, #tpu.memory_space<vmem>> -> memref<128x16xf32, #tpu.memory_space<vmem>>
        %dma_start3A_71 = arith.constant 0 : i32
        %dma_start3A_72 = tpu.memref_slice %arg8[%dma_start3A_67, %dma_start3A_71] : memref<8x128xi32, #tpu.memory_space<vmem>> -> memref<1x128xi32, #tpu.memory_space<vmem>>
        %dma_start3A_73 = tpu.memref_squeeze %dma_start3A_72 : memref<1x128xi32, #tpu.memory_space<vmem>> -> memref<128xi32, #tpu.memory_space<vmem>>
        %dma_start3A_74 = arith.constant 0 : i32
        %dma_start3A_75 = arith.constant 0 : i32
        %dma_start3A_76 = tpu.memref_slice %arg4[%dma_start3A_74, %dma_start3A_75] : memref<100000x16xf32, #tpu.memory_space<hbm>> -> memref<100000x16xf32, #tpu.memory_space<hbm>>
        tpu.enqueue_indirect_dma source(%dma_start3A_76 : memref<100000x16xf32, #tpu.memory_space<hbm>>) target(%dma_start3A_70 : memref<128x16xf32, #tpu.memory_space<vmem>>) offsets(%dma_start3A_73 : memref<128xi32, #tpu.memory_space<vmem>>) semaphore(%arg12 : memref<!tpu.dma_semaphore, #tpu.memory_space<semaphore_mem>>)
        %dma_start3A_77 = arith.constant 3 : i32
        %dma_start3A_78 = arith.constant 384 : i32
        %dma_start3A_79 = arith.constant 0 : i32
        %dma_start3A_80 = tpu.memref_slice %arg9[%dma_start3A_78, %dma_start3A_79] : memref<1024x16xf32, #tpu.memory_space<vmem>> -> memref<128x16xf32, #tpu.memory_space<vmem>>
        %dma_start3A_81 = arith.constant 0 : i32
        %dma_start3A_82 = tpu.memref_slice %arg7[%dma_start3A_77, %dma_start3A_81] : memref<8x128xi32, #tpu.memory_space<vmem>> -> memref<1x128xi32, #tpu.memory_space<vmem>>
        %dma_start3A_83 = tpu.memref_squeeze %dma_start3A_82 : memref<1x128xi32, #tpu.memory_space<vmem>> -> memref<128xi32, #tpu.memory_space<vmem>>
        %dma_start3A_84 = arith.constant 0 : i32
        %dma_start3A_85 = arith.constant 0 : i32
        %dma_start3A_86 = tpu.memref_slice %arg4[%dma_start3A_84, %dma_start3A_85] : memref<100000x16xf32, #tpu.memory_space<hbm>> -> memref<100000x16xf32, #tpu.memory_space<hbm>>
        tpu.enqueue_indirect_dma source(%dma_start3A_86 : memref<100000x16xf32, #tpu.memory_space<hbm>>) target(%dma_start3A_80 : memref<128x16xf32, #tpu.memory_space<vmem>>) offsets(%dma_start3A_83 : memref<128xi32, #tpu.memory_space<vmem>>) semaphore(%arg11 : memref<!tpu.dma_semaphore, #tpu.memory_space<semaphore_mem>>)
        %dma_start3A_87 = arith.constant 3 : i32
        %dma_start3A_88 = arith.constant 384 : i32
        %dma_start3A_89 = arith.constant 0 : i32
        %dma_start3A_90 = tpu.memref_slice %arg10[%dma_start3A_88, %dma_start3A_89] : memref<1024x16xf32, #tpu.memory_space<vmem>> -> memref<128x16xf32, #tpu.memory_space<vmem>>
        %dma_start3A_91 = arith.constant 0 : i32
        %dma_start3A_92 = tpu.memref_slice %arg8[%dma_start3A_87, %dma_start3A_91] : memref<8x128xi32, #tpu.memory_space<vmem>> -> memref<1x128xi32, #tpu.memory_space<vmem>>
        %dma_start3A_93 = tpu.memref_squeeze %dma_start3A_92 : memref<1x128xi32, #tpu.memory_space<vmem>> -> memref<128xi32, #tpu.memory_space<vmem>>
        %dma_start3A_94 = arith.constant 0 : i32
        %dma_start3A_95 = arith.constant 0 : i32
        %dma_start3A_96 = tpu.memref_slice %arg4[%dma_start3A_94, %dma_start3A_95] : memref<100000x16xf32, #tpu.memory_space<hbm>> -> memref<100000x16xf32, #tpu.memory_space<hbm>>
        tpu.enqueue_indirect_dma source(%dma_start3A_96 : memref<100000x16xf32, #tpu.memory_space<hbm>>) target(%dma_start3A_90 : memref<128x16xf32, #tpu.memory_space<vmem>>) offsets(%dma_start3A_93 : memref<128xi32, #tpu.memory_space<vmem>>) semaphore(%arg12 : memref<!tpu.dma_semaphore, #tpu.memory_space<semaphore_mem>>)
        %dma_start3A_97 = arith.constant 4 : i32
        %dma_start3A_98 = arith.constant 512 : i32
        %dma_start3A_99 = arith.constant 0 : i32
        %dma_start3A_100 = tpu.memref_slice %arg9[%dma_start3A_98, %dma_start3A_99] : memref<1024x16xf32, #tpu.memory_space<vmem>> -> memref<128x16xf32, #tpu.memory_space<vmem>>
        %dma_start3A_101 = arith.constant 0 : i32
        %dma_start3A_102 = tpu.memref_slice %arg7[%dma_start3A_97, %dma_start3A_101] : memref<8x128xi32, #tpu.memory_space<vmem>> -> memref<1x128xi32, #tpu.memory_space<vmem>>
        %dma_start3A_103 = tpu.memref_squeeze %dma_start3A_102 : memref<1x128xi32, #tpu.memory_space<vmem>> -> memref<128xi32, #tpu.memory_space<vmem>>
        %dma_start3A_104 = arith.constant 0 : i32
        %dma_start3A_105 = arith.constant 0 : i32
        %dma_start3A_106 = tpu.memref_slice %arg4[%dma_start3A_104, %dma_start3A_105] : memref<100000x16xf32, #tpu.memory_space<hbm>> -> memref<100000x16xf32, #tpu.memory_space<hbm>>
        tpu.enqueue_indirect_dma source(%dma_start3A_106 : memref<100000x16xf32, #tpu.memory_space<hbm>>) target(%dma_start3A_100 : memref<128x16xf32, #tpu.memory_space<vmem>>) offsets(%dma_start3A_103 : memref<128xi32, #tpu.memory_space<vmem>>) semaphore(%arg11 : memref<!tpu.dma_semaphore, #tpu.memory_space<semaphore_mem>>)
        %dma_start3A_107 = arith.constant 4 : i32
        %dma_start3A_108 = arith.constant 512 : i32
        %dma_start3A_109 = arith.constant 0 : i32
        %dma_start3A_110 = tpu.memref_slice %arg10[%dma_start3A_108, %dma_start3A_109] : memref<1024x16xf32, #tpu.memory_space<vmem>> -> memref<128x16xf32, #tpu.memory_space<vmem>>
        %dma_start3A_111 = arith.constant 0 : i32
        %dma_start3A_112 = tpu.memref_slice %arg8[%dma_start3A_107, %dma_start3A_111] : memref<8x128xi32, #tpu.memory_space<vmem>> -> memref<1x128xi32, #tpu.memory_space<vmem>>
        %dma_start3A_113 = tpu.memref_squeeze %dma_start3A_112 : memref<1x128xi32, #tpu.memory_space<vmem>> -> memref<128xi32, #tpu.memory_space<vmem>>
        %dma_start3A_114 = arith.constant 0 : i32
        %dma_start3A_115 = arith.constant 0 : i32
        %dma_start3A_116 = tpu.memref_slice %arg4[%dma_start3A_114, %dma_start3A_115] : memref<100000x16xf32, #tpu.memory_space<hbm>> -> memref<100000x16xf32, #tpu.memory_space<hbm>>
        tpu.enqueue_indirect_dma source(%dma_start3A_116 : memref<100000x16xf32, #tpu.memory_space<hbm>>) target(%dma_start3A_110 : memref<128x16xf32, #tpu.memory_space<vmem>>) offsets(%dma_start3A_113 : memref<128xi32, #tpu.memory_space<vmem>>) semaphore(%arg12 : memref<!tpu.dma_semaphore, #tpu.memory_space<semaphore_mem>>)
        %dma_start3A_117 = arith.constant 5 : i32
        %dma_start3A_118 = arith.constant 640 : i32
        %dma_start3A_119 = arith.constant 0 : i32
        %dma_start3A_120 = tpu.memref_slice %arg9[%dma_start3A_118, %dma_start3A_119] : memref<1024x16xf32, #tpu.memory_space<vmem>> -> memref<128x16xf32, #tpu.memory_space<vmem>>
        %dma_start3A_121 = arith.constant 0 : i32
        %dma_start3A_122 = tpu.memref_slice %arg7[%dma_start3A_117, %dma_start3A_121] : memref<8x128xi32, #tpu.memory_space<vmem>> -> memref<1x128xi32, #tpu.memory_space<vmem>>
        %dma_start3A_123 = tpu.memref_squeeze %dma_start3A_122 : memref<1x128xi32, #tpu.memory_space<vmem>> -> memref<128xi32, #tpu.memory_space<vmem>>
        %dma_start3A_124 = arith.constant 0 : i32
        %dma_start3A_125 = arith.constant 0 : i32
        %dma_start3A_126 = tpu.memref_slice %arg4[%dma_start3A_124, %dma_start3A_125] : memref<100000x16xf32, #tpu.memory_space<hbm>> -> memref<100000x16xf32, #tpu.memory_space<hbm>>
        tpu.enqueue_indirect_dma source(%dma_start3A_126 : memref<100000x16xf32, #tpu.memory_space<hbm>>) target(%dma_start3A_120 : memref<128x16xf32, #tpu.memory_space<vmem>>) offsets(%dma_start3A_123 : memref<128xi32, #tpu.memory_space<vmem>>) semaphore(%arg11 : memref<!tpu.dma_semaphore, #tpu.memory_space<semaphore_mem>>)
        %dma_start3A_127 = arith.constant 5 : i32
        %dma_start3A_128 = arith.constant 640 : i32
        %dma_start3A_129 = arith.constant 0 : i32
        %dma_start3A_130 = tpu.memref_slice %arg10[%dma_start3A_128, %dma_start3A_129] : memref<1024x16xf32, #tpu.memory_space<vmem>> -> memref<128x16xf32, #tpu.memory_space<vmem>>
        %dma_start3A_131 = arith.constant 0 : i32
        %dma_start3A_132 = tpu.memref_slice %arg8[%dma_start3A_127, %dma_start3A_131] : memref<8x128xi32, #tpu.memory_space<vmem>> -> memref<1x128xi32, #tpu.memory_space<vmem>>
        %dma_start3A_133 = tpu.memref_squeeze %dma_start3A_132 : memref<1x128xi32, #tpu.memory_space<vmem>> -> memref<128xi32, #tpu.memory_space<vmem>>
        %dma_start3A_134 = arith.constant 0 : i32
        %dma_start3A_135 = arith.constant 0 : i32
        %dma_start3A_136 = tpu.memref_slice %arg4[%dma_start3A_134, %dma_start3A_135] : memref<100000x16xf32, #tpu.memory_space<hbm>> -> memref<100000x16xf32, #tpu.memory_space<hbm>>
        tpu.enqueue_indirect_dma source(%dma_start3A_136 : memref<100000x16xf32, #tpu.memory_space<hbm>>) target(%dma_start3A_130 : memref<128x16xf32, #tpu.memory_space<vmem>>) offsets(%dma_start3A_133 : memref<128xi32, #tpu.memory_space<vmem>>) semaphore(%arg12 : memref<!tpu.dma_semaphore, #tpu.memory_space<semaphore_mem>>)
        %dma_start3A_137 = arith.constant 6 : i32
        %dma_start3A_138 = arith.constant 768 : i32
        %dma_start3A_139 = arith.constant 0 : i32
        %dma_start3A_140 = tpu.memref_slice %arg9[%dma_start3A_138, %dma_start3A_139] : memref<1024x16xf32, #tpu.memory_space<vmem>> -> memref<128x16xf32, #tpu.memory_space<vmem>>
        %dma_start3A_141 = arith.constant 0 : i32
        %dma_start3A_142 = tpu.memref_slice %arg7[%dma_start3A_137, %dma_start3A_141] : memref<8x128xi32, #tpu.memory_space<vmem>> -> memref<1x128xi32, #tpu.memory_space<vmem>>
        %dma_start3A_143 = tpu.memref_squeeze %dma_start3A_142 : memref<1x128xi32, #tpu.memory_space<vmem>> -> memref<128xi32, #tpu.memory_space<vmem>>
        %dma_start3A_144 = arith.constant 0 : i32
        %dma_start3A_145 = arith.constant 0 : i32
        %dma_start3A_146 = tpu.memref_slice %arg4[%dma_start3A_144, %dma_start3A_145] : memref<100000x16xf32, #tpu.memory_space<hbm>> -> memref<100000x16xf32, #tpu.memory_space<hbm>>
        tpu.enqueue_indirect_dma source(%dma_start3A_146 : memref<100000x16xf32, #tpu.memory_space<hbm>>) target(%dma_start3A_140 : memref<128x16xf32, #tpu.memory_space<vmem>>) offsets(%dma_start3A_143 : memref<128xi32, #tpu.memory_space<vmem>>) semaphore(%arg11 : memref<!tpu.dma_semaphore, #tpu.memory_space<semaphore_mem>>)
        %dma_start3A_147 = arith.constant 6 : i32
        %dma_start3A_148 = arith.constant 768 : i32
        %dma_start3A_149 = arith.constant 0 : i32
        %dma_start3A_150 = tpu.memref_slice %arg10[%dma_start3A_148, %dma_start3A_149] : memref<1024x16xf32, #tpu.memory_space<vmem>> -> memref<128x16xf32, #tpu.memory_space<vmem>>
        %dma_start3A_151 = arith.constant 0 : i32
        %dma_start3A_152 = tpu.memref_slice %arg8[%dma_start3A_147, %dma_start3A_151] : memref<8x128xi32, #tpu.memory_space<vmem>> -> memref<1x128xi32, #tpu.memory_space<vmem>>
        %dma_start3A_153 = tpu.memref_squeeze %dma_start3A_152 : memref<1x128xi32, #tpu.memory_space<vmem>> -> memref<128xi32, #tpu.memory_space<vmem>>
        %dma_start3A_154 = arith.constant 0 : i32
        %dma_start3A_155 = arith.constant 0 : i32
        %dma_start3A_156 = tpu.memref_slice %arg4[%dma_start3A_154, %dma_start3A_155] : memref<100000x16xf32, #tpu.memory_space<hbm>> -> memref<100000x16xf32, #tpu.memory_space<hbm>>
        tpu.enqueue_indirect_dma source(%dma_start3A_156 : memref<100000x16xf32, #tpu.memory_space<hbm>>) target(%dma_start3A_150 : memref<128x16xf32, #tpu.memory_space<vmem>>) offsets(%dma_start3A_153 : memref<128xi32, #tpu.memory_space<vmem>>) semaphore(%arg12 : memref<!tpu.dma_semaphore, #tpu.memory_space<semaphore_mem>>)
        %dma_start3A_157 = arith.constant 7 : i32
        %dma_start3A_158 = arith.constant 896 : i32
        %dma_start3A_159 = arith.constant 0 : i32
        %dma_start3A_160 = tpu.memref_slice %arg9[%dma_start3A_158, %dma_start3A_159] : memref<1024x16xf32, #tpu.memory_space<vmem>> -> memref<128x16xf32, #tpu.memory_space<vmem>>
        %dma_start3A_161 = arith.constant 0 : i32
        %dma_start3A_162 = tpu.memref_slice %arg7[%dma_start3A_157, %dma_start3A_161] : memref<8x128xi32, #tpu.memory_space<vmem>> -> memref<1x128xi32, #tpu.memory_space<vmem>>
        %dma_start3A_163 = tpu.memref_squeeze %dma_start3A_162 : memref<1x128xi32, #tpu.memory_space<vmem>> -> memref<128xi32, #tpu.memory_space<vmem>>
        %dma_start3A_164 = arith.constant 0 : i32
        %dma_start3A_165 = arith.constant 0 : i32
        %dma_start3A_166 = tpu.memref_slice %arg4[%dma_start3A_164, %dma_start3A_165] : memref<100000x16xf32, #tpu.memory_space<hbm>> -> memref<100000x16xf32, #tpu.memory_space<hbm>>
        tpu.enqueue_indirect_dma source(%dma_start3A_166 : memref<100000x16xf32, #tpu.memory_space<hbm>>) target(%dma_start3A_160 : memref<128x16xf32, #tpu.memory_space<vmem>>) offsets(%dma_start3A_163 : memref<128xi32, #tpu.memory_space<vmem>>) semaphore(%arg11 : memref<!tpu.dma_semaphore, #tpu.memory_space<semaphore_mem>>)
        %dma_start3A_167 = arith.constant 7 : i32
        %dma_start3A_168 = arith.constant 896 : i32
        %dma_start3A_169 = arith.constant 0 : i32
        %dma_start3A_170 = tpu.memref_slice %arg10[%dma_start3A_168, %dma_start3A_169] : memref<1024x16xf32, #tpu.memory_space<vmem>> -> memref<128x16xf32, #tpu.memory_space<vmem>>
        %dma_start3A_171 = arith.constant 0 : i32
        %dma_start3A_172 = tpu.memref_slice %arg8[%dma_start3A_167, %dma_start3A_171] : memref<8x128xi32, #tpu.memory_space<vmem>> -> memref<1x128xi32, #tpu.memory_space<vmem>>
        %dma_start3A_173 = tpu.memref_squeeze %dma_start3A_172 : memref<1x128xi32, #tpu.memory_space<vmem>> -> memref<128xi32, #tpu.memory_space<vmem>>
        %dma_start3A_174 = arith.constant 0 : i32
        %dma_start3A_175 = arith.constant 0 : i32
        %dma_start3A_176 = tpu.memref_slice %arg4[%dma_start3A_174, %dma_start3A_175] : memref<100000x16xf32, #tpu.memory_space<hbm>> -> memref<100000x16xf32, #tpu.memory_space<hbm>>
        tpu.enqueue_indirect_dma source(%dma_start3A_176 : memref<100000x16xf32, #tpu.memory_space<hbm>>) target(%dma_start3A_170 : memref<128x16xf32, #tpu.memory_space<vmem>>) offsets(%dma_start3A_173 : memref<128xi32, #tpu.memory_space<vmem>>) semaphore(%arg12 : memref<!tpu.dma_semaphore, #tpu.memory_space<semaphore_mem>>)
        %dma_wait3A = arith.constant 0 : i32
        %dma_wait3A_177 = arith.constant 0 : i32
        %dma_wait3A_178 = arith.constant 0 : i32
        %dma_wait3A_179 = tpu.memref_slice %arg9[%dma_wait3A_177, %dma_wait3A_178] : memref<1024x16xf32, #tpu.memory_space<vmem>> -> memref<128x16xf32, #tpu.memory_space<vmem>>
        %dma_wait3A_180 = arith.constant 0 : i32
        %dma_wait3A_181 = tpu.memref_slice %arg7[%dma_wait3A, %dma_wait3A_180] : memref<8x128xi32, #tpu.memory_space<vmem>> -> memref<1x128xi32, #tpu.memory_space<vmem>>
        %dma_wait3A_182 = tpu.memref_squeeze %dma_wait3A_181 : memref<1x128xi32, #tpu.memory_space<vmem>> -> memref<128xi32, #tpu.memory_space<vmem>>
        %dma_wait3A_183 = arith.constant 0 : i32
        %dma_wait3A_184 = arith.constant 0 : i32
        %dma_wait3A_185 = tpu.memref_slice %arg4[%dma_wait3A_183, %dma_wait3A_184] : memref<100000x16xf32, #tpu.memory_space<hbm>> -> memref<100000x16xf32, #tpu.memory_space<hbm>>
        tpu.wait_indirect_dma semaphore(%arg11 : memref<!tpu.dma_semaphore, #tpu.memory_space<semaphore_mem>>) src(%dma_wait3A_185 : memref<100000x16xf32, #tpu.memory_space<hbm>>) dst(%dma_wait3A_179 : memref<128x16xf32, #tpu.memory_space<vmem>>)
        %dma_wait3A_186 = arith.constant 0 : i32
        %dma_wait3A_187 = arith.constant 0 : i32
        %dma_wait3A_188 = arith.constant 0 : i32
        %dma_wait3A_189 = tpu.memref_slice %arg10[%dma_wait3A_187, %dma_wait3A_188] : memref<1024x16xf32, #tpu.memory_space<vmem>> -> memref<128x16xf32, #tpu.memory_space<vmem>>
        %dma_wait3A_190 = arith.constant 0 : i32
        %dma_wait3A_191 = tpu.memref_slice %arg8[%dma_wait3A_186, %dma_wait3A_190] : memref<8x128xi32, #tpu.memory_space<vmem>> -> memref<1x128xi32, #tpu.memory_space<vmem>>
        %dma_wait3A_192 = tpu.memref_squeeze %dma_wait3A_191 : memref<1x128xi32, #tpu.memory_space<vmem>> -> memref<128xi32, #tpu.memory_space<vmem>>
        %dma_wait3A_193 = arith.constant 0 : i32
        %dma_wait3A_194 = arith.constant 0 : i32
        %dma_wait3A_195 = tpu.memref_slice %arg4[%dma_wait3A_193, %dma_wait3A_194] : memref<100000x16xf32, #tpu.memory_space<hbm>> -> memref<100000x16xf32, #tpu.memory_space<hbm>>
        tpu.wait_indirect_dma semaphore(%arg12 : memref<!tpu.dma_semaphore, #tpu.memory_space<semaphore_mem>>) src(%dma_wait3A_195 : memref<100000x16xf32, #tpu.memory_space<hbm>>) dst(%dma_wait3A_189 : memref<128x16xf32, #tpu.memory_space<vmem>>)
        %dma_wait3A_196 = arith.constant 1 : i32
        %dma_wait3A_197 = arith.constant 128 : i32
        %dma_wait3A_198 = arith.constant 0 : i32
        %dma_wait3A_199 = tpu.memref_slice %arg9[%dma_wait3A_197, %dma_wait3A_198] : memref<1024x16xf32, #tpu.memory_space<vmem>> -> memref<128x16xf32, #tpu.memory_space<vmem>>
        %dma_wait3A_200 = arith.constant 0 : i32
        %dma_wait3A_201 = tpu.memref_slice %arg7[%dma_wait3A_196, %dma_wait3A_200] : memref<8x128xi32, #tpu.memory_space<vmem>> -> memref<1x128xi32, #tpu.memory_space<vmem>>
        %dma_wait3A_202 = tpu.memref_squeeze %dma_wait3A_201 : memref<1x128xi32, #tpu.memory_space<vmem>> -> memref<128xi32, #tpu.memory_space<vmem>>
        %dma_wait3A_203 = arith.constant 0 : i32
        %dma_wait3A_204 = arith.constant 0 : i32
        %dma_wait3A_205 = tpu.memref_slice %arg4[%dma_wait3A_203, %dma_wait3A_204] : memref<100000x16xf32, #tpu.memory_space<hbm>> -> memref<100000x16xf32, #tpu.memory_space<hbm>>
        tpu.wait_indirect_dma semaphore(%arg11 : memref<!tpu.dma_semaphore, #tpu.memory_space<semaphore_mem>>) src(%dma_wait3A_205 : memref<100000x16xf32, #tpu.memory_space<hbm>>) dst(%dma_wait3A_199 : memref<128x16xf32, #tpu.memory_space<vmem>>)
        %dma_wait3A_206 = arith.constant 1 : i32
        %dma_wait3A_207 = arith.constant 128 : i32
        %dma_wait3A_208 = arith.constant 0 : i32
        %dma_wait3A_209 = tpu.memref_slice %arg10[%dma_wait3A_207, %dma_wait3A_208] : memref<1024x16xf32, #tpu.memory_space<vmem>> -> memref<128x16xf32, #tpu.memory_space<vmem>>
        %dma_wait3A_210 = arith.constant 0 : i32
        %dma_wait3A_211 = tpu.memref_slice %arg8[%dma_wait3A_206, %dma_wait3A_210] : memref<8x128xi32, #tpu.memory_space<vmem>> -> memref<1x128xi32, #tpu.memory_space<vmem>>
        %dma_wait3A_212 = tpu.memref_squeeze %dma_wait3A_211 : memref<1x128xi32, #tpu.memory_space<vmem>> -> memref<128xi32, #tpu.memory_space<vmem>>
        %dma_wait3A_213 = arith.constant 0 : i32
        %dma_wait3A_214 = arith.constant 0 : i32
        %dma_wait3A_215 = tpu.memref_slice %arg4[%dma_wait3A_213, %dma_wait3A_214] : memref<100000x16xf32, #tpu.memory_space<hbm>> -> memref<100000x16xf32, #tpu.memory_space<hbm>>
        tpu.wait_indirect_dma semaphore(%arg12 : memref<!tpu.dma_semaphore, #tpu.memory_space<semaphore_mem>>) src(%dma_wait3A_215 : memref<100000x16xf32, #tpu.memory_space<hbm>>) dst(%dma_wait3A_209 : memref<128x16xf32, #tpu.memory_space<vmem>>)
        %dma_wait3A_216 = arith.constant 2 : i32
        %dma_wait3A_217 = arith.constant 256 : i32
        %dma_wait3A_218 = arith.constant 0 : i32
        %dma_wait3A_219 = tpu.memref_slice %arg9[%dma_wait3A_217, %dma_wait3A_218] : memref<1024x16xf32, #tpu.memory_space<vmem>> -> memref<128x16xf32, #tpu.memory_space<vmem>>
        %dma_wait3A_220 = arith.constant 0 : i32
        %dma_wait3A_221 = tpu.memref_slice %arg7[%dma_wait3A_216, %dma_wait3A_220] : memref<8x128xi32, #tpu.memory_space<vmem>> -> memref<1x128xi32, #tpu.memory_space<vmem>>
        %dma_wait3A_222 = tpu.memref_squeeze %dma_wait3A_221 : memref<1x128xi32, #tpu.memory_space<vmem>> -> memref<128xi32, #tpu.memory_space<vmem>>
        %dma_wait3A_223 = arith.constant 0 : i32
        %dma_wait3A_224 = arith.constant 0 : i32
        %dma_wait3A_225 = tpu.memref_slice %arg4[%dma_wait3A_223, %dma_wait3A_224] : memref<100000x16xf32, #tpu.memory_space<hbm>> -> memref<100000x16xf32, #tpu.memory_space<hbm>>
        tpu.wait_indirect_dma semaphore(%arg11 : memref<!tpu.dma_semaphore, #tpu.memory_space<semaphore_mem>>) src(%dma_wait3A_225 : memref<100000x16xf32, #tpu.memory_space<hbm>>) dst(%dma_wait3A_219 : memref<128x16xf32, #tpu.memory_space<vmem>>)
        %dma_wait3A_226 = arith.constant 2 : i32
        %dma_wait3A_227 = arith.constant 256 : i32
        %dma_wait3A_228 = arith.constant 0 : i32
        %dma_wait3A_229 = tpu.memref_slice %arg10[%dma_wait3A_227, %dma_wait3A_228] : memref<1024x16xf32, #tpu.memory_space<vmem>> -> memref<128x16xf32, #tpu.memory_space<vmem>>
        %dma_wait3A_230 = arith.constant 0 : i32
        %dma_wait3A_231 = tpu.memref_slice %arg8[%dma_wait3A_226, %dma_wait3A_230] : memref<8x128xi32, #tpu.memory_space<vmem>> -> memref<1x128xi32, #tpu.memory_space<vmem>>
        %dma_wait3A_232 = tpu.memref_squeeze %dma_wait3A_231 : memref<1x128xi32, #tpu.memory_space<vmem>> -> memref<128xi32, #tpu.memory_space<vmem>>
        %dma_wait3A_233 = arith.constant 0 : i32
        %dma_wait3A_234 = arith.constant 0 : i32
        %dma_wait3A_235 = tpu.memref_slice %arg4[%dma_wait3A_233, %dma_wait3A_234] : memref<100000x16xf32, #tpu.memory_space<hbm>> -> memref<100000x16xf32, #tpu.memory_space<hbm>>
        tpu.wait_indirect_dma semaphore(%arg12 : memref<!tpu.dma_semaphore, #tpu.memory_space<semaphore_mem>>) src(%dma_wait3A_235 : memref<100000x16xf32, #tpu.memory_space<hbm>>) dst(%dma_wait3A_229 : memref<128x16xf32, #tpu.memory_space<vmem>>)
        %dma_wait3A_236 = arith.constant 3 : i32
        %dma_wait3A_237 = arith.constant 384 : i32
        %dma_wait3A_238 = arith.constant 0 : i32
        %dma_wait3A_239 = tpu.memref_slice %arg9[%dma_wait3A_237, %dma_wait3A_238] : memref<1024x16xf32, #tpu.memory_space<vmem>> -> memref<128x16xf32, #tpu.memory_space<vmem>>
        %dma_wait3A_240 = arith.constant 0 : i32
        %dma_wait3A_241 = tpu.memref_slice %arg7[%dma_wait3A_236, %dma_wait3A_240] : memref<8x128xi32, #tpu.memory_space<vmem>> -> memref<1x128xi32, #tpu.memory_space<vmem>>
        %dma_wait3A_242 = tpu.memref_squeeze %dma_wait3A_241 : memref<1x128xi32, #tpu.memory_space<vmem>> -> memref<128xi32, #tpu.memory_space<vmem>>
        %dma_wait3A_243 = arith.constant 0 : i32
        %dma_wait3A_244 = arith.constant 0 : i32
        %dma_wait3A_245 = tpu.memref_slice %arg4[%dma_wait3A_243, %dma_wait3A_244] : memref<100000x16xf32, #tpu.memory_space<hbm>> -> memref<100000x16xf32, #tpu.memory_space<hbm>>
        tpu.wait_indirect_dma semaphore(%arg11 : memref<!tpu.dma_semaphore, #tpu.memory_space<semaphore_mem>>) src(%dma_wait3A_245 : memref<100000x16xf32, #tpu.memory_space<hbm>>) dst(%dma_wait3A_239 : memref<128x16xf32, #tpu.memory_space<vmem>>)
        %dma_wait3A_246 = arith.constant 3 : i32
        %dma_wait3A_247 = arith.constant 384 : i32
        %dma_wait3A_248 = arith.constant 0 : i32
        %dma_wait3A_249 = tpu.memref_slice %arg10[%dma_wait3A_247, %dma_wait3A_248] : memref<1024x16xf32, #tpu.memory_space<vmem>> -> memref<128x16xf32, #tpu.memory_space<vmem>>
        %dma_wait3A_250 = arith.constant 0 : i32
        %dma_wait3A_251 = tpu.memref_slice %arg8[%dma_wait3A_246, %dma_wait3A_250] : memref<8x128xi32, #tpu.memory_space<vmem>> -> memref<1x128xi32, #tpu.memory_space<vmem>>
        %dma_wait3A_252 = tpu.memref_squeeze %dma_wait3A_251 : memref<1x128xi32, #tpu.memory_space<vmem>> -> memref<128xi32, #tpu.memory_space<vmem>>
        %dma_wait3A_253 = arith.constant 0 : i32
        %dma_wait3A_254 = arith.constant 0 : i32
        %dma_wait3A_255 = tpu.memref_slice %arg4[%dma_wait3A_253, %dma_wait3A_254] : memref<100000x16xf32, #tpu.memory_space<hbm>> -> memref<100000x16xf32, #tpu.memory_space<hbm>>
        tpu.wait_indirect_dma semaphore(%arg12 : memref<!tpu.dma_semaphore, #tpu.memory_space<semaphore_mem>>) src(%dma_wait3A_255 : memref<100000x16xf32, #tpu.memory_space<hbm>>) dst(%dma_wait3A_249 : memref<128x16xf32, #tpu.memory_space<vmem>>)
        %dma_wait3A_256 = arith.constant 4 : i32
        %dma_wait3A_257 = arith.constant 512 : i32
        %dma_wait3A_258 = arith.constant 0 : i32
        %dma_wait3A_259 = tpu.memref_slice %arg9[%dma_wait3A_257, %dma_wait3A_258] : memref<1024x16xf32, #tpu.memory_space<vmem>> -> memref<128x16xf32, #tpu.memory_space<vmem>>
        %dma_wait3A_260 = arith.constant 0 : i32
        %dma_wait3A_261 = tpu.memref_slice %arg7[%dma_wait3A_256, %dma_wait3A_260] : memref<8x128xi32, #tpu.memory_space<vmem>> -> memref<1x128xi32, #tpu.memory_space<vmem>>
        %dma_wait3A_262 = tpu.memref_squeeze %dma_wait3A_261 : memref<1x128xi32, #tpu.memory_space<vmem>> -> memref<128xi32, #tpu.memory_space<vmem>>
        %dma_wait3A_263 = arith.constant 0 : i32
        %dma_wait3A_264 = arith.constant 0 : i32
        %dma_wait3A_265 = tpu.memref_slice %arg4[%dma_wait3A_263, %dma_wait3A_264] : memref<100000x16xf32, #tpu.memory_space<hbm>> -> memref<100000x16xf32, #tpu.memory_space<hbm>>
        tpu.wait_indirect_dma semaphore(%arg11 : memref<!tpu.dma_semaphore, #tpu.memory_space<semaphore_mem>>) src(%dma_wait3A_265 : memref<100000x16xf32, #tpu.memory_space<hbm>>) dst(%dma_wait3A_259 : memref<128x16xf32, #tpu.memory_space<vmem>>)
        %dma_wait3A_266 = arith.constant 4 : i32
        %dma_wait3A_267 = arith.constant 512 : i32
        %dma_wait3A_268 = arith.constant 0 : i32
        %dma_wait3A_269 = tpu.memref_slice %arg10[%dma_wait3A_267, %dma_wait3A_268] : memref<1024x16xf32, #tpu.memory_space<vmem>> -> memref<128x16xf32, #tpu.memory_space<vmem>>
        %dma_wait3A_270 = arith.constant 0 : i32
        %dma_wait3A_271 = tpu.memref_slice %arg8[%dma_wait3A_266, %dma_wait3A_270] : memref<8x128xi32, #tpu.memory_space<vmem>> -> memref<1x128xi32, #tpu.memory_space<vmem>>
        %dma_wait3A_272 = tpu.memref_squeeze %dma_wait3A_271 : memref<1x128xi32, #tpu.memory_space<vmem>> -> memref<128xi32, #tpu.memory_space<vmem>>
        %dma_wait3A_273 = arith.constant 0 : i32
        %dma_wait3A_274 = arith.constant 0 : i32
        %dma_wait3A_275 = tpu.memref_slice %arg4[%dma_wait3A_273, %dma_wait3A_274] : memref<100000x16xf32, #tpu.memory_space<hbm>> -> memref<100000x16xf32, #tpu.memory_space<hbm>>
        tpu.wait_indirect_dma semaphore(%arg12 : memref<!tpu.dma_semaphore, #tpu.memory_space<semaphore_mem>>) src(%dma_wait3A_275 : memref<100000x16xf32, #tpu.memory_space<hbm>>) dst(%dma_wait3A_269 : memref<128x16xf32, #tpu.memory_space<vmem>>)
        %dma_wait3A_276 = arith.constant 5 : i32
        %dma_wait3A_277 = arith.constant 640 : i32
        %dma_wait3A_278 = arith.constant 0 : i32
        %dma_wait3A_279 = tpu.memref_slice %arg9[%dma_wait3A_277, %dma_wait3A_278] : memref<1024x16xf32, #tpu.memory_space<vmem>> -> memref<128x16xf32, #tpu.memory_space<vmem>>
        %dma_wait3A_280 = arith.constant 0 : i32
        %dma_wait3A_281 = tpu.memref_slice %arg7[%dma_wait3A_276, %dma_wait3A_280] : memref<8x128xi32, #tpu.memory_space<vmem>> -> memref<1x128xi32, #tpu.memory_space<vmem>>
        %dma_wait3A_282 = tpu.memref_squeeze %dma_wait3A_281 : memref<1x128xi32, #tpu.memory_space<vmem>> -> memref<128xi32, #tpu.memory_space<vmem>>
        %dma_wait3A_283 = arith.constant 0 : i32
        %dma_wait3A_284 = arith.constant 0 : i32
        %dma_wait3A_285 = tpu.memref_slice %arg4[%dma_wait3A_283, %dma_wait3A_284] : memref<100000x16xf32, #tpu.memory_space<hbm>> -> memref<100000x16xf32, #tpu.memory_space<hbm>>
        tpu.wait_indirect_dma semaphore(%arg11 : memref<!tpu.dma_semaphore, #tpu.memory_space<semaphore_mem>>) src(%dma_wait3A_285 : memref<100000x16xf32, #tpu.memory_space<hbm>>) dst(%dma_wait3A_279 : memref<128x16xf32, #tpu.memory_space<vmem>>)
        %dma_wait3A_286 = arith.constant 5 : i32
        %dma_wait3A_287 = arith.constant 640 : i32
        %dma_wait3A_288 = arith.constant 0 : i32
        %dma_wait3A_289 = tpu.memref_slice %arg10[%dma_wait3A_287, %dma_wait3A_288] : memref<1024x16xf32, #tpu.memory_space<vmem>> -> memref<128x16xf32, #tpu.memory_space<vmem>>
        %dma_wait3A_290 = arith.constant 0 : i32
        %dma_wait3A_291 = tpu.memref_slice %arg8[%dma_wait3A_286, %dma_wait3A_290] : memref<8x128xi32, #tpu.memory_space<vmem>> -> memref<1x128xi32, #tpu.memory_space<vmem>>
        %dma_wait3A_292 = tpu.memref_squeeze %dma_wait3A_291 : memref<1x128xi32, #tpu.memory_space<vmem>> -> memref<128xi32, #tpu.memory_space<vmem>>
        %dma_wait3A_293 = arith.constant 0 : i32
        %dma_wait3A_294 = arith.constant 0 : i32
        %dma_wait3A_295 = tpu.memref_slice %arg4[%dma_wait3A_293, %dma_wait3A_294] : memref<100000x16xf32, #tpu.memory_space<hbm>> -> memref<100000x16xf32, #tpu.memory_space<hbm>>
        tpu.wait_indirect_dma semaphore(%arg12 : memref<!tpu.dma_semaphore, #tpu.memory_space<semaphore_mem>>) src(%dma_wait3A_295 : memref<100000x16xf32, #tpu.memory_space<hbm>>) dst(%dma_wait3A_289 : memref<128x16xf32, #tpu.memory_space<vmem>>)
        %dma_wait3A_296 = arith.constant 6 : i32
        %dma_wait3A_297 = arith.constant 768 : i32
        %dma_wait3A_298 = arith.constant 0 : i32
        %dma_wait3A_299 = tpu.memref_slice %arg9[%dma_wait3A_297, %dma_wait3A_298] : memref<1024x16xf32, #tpu.memory_space<vmem>> -> memref<128x16xf32, #tpu.memory_space<vmem>>
        %dma_wait3A_300 = arith.constant 0 : i32
        %dma_wait3A_301 = tpu.memref_slice %arg7[%dma_wait3A_296, %dma_wait3A_300] : memref<8x128xi32, #tpu.memory_space<vmem>> -> memref<1x128xi32, #tpu.memory_space<vmem>>
        %dma_wait3A_302 = tpu.memref_squeeze %dma_wait3A_301 : memref<1x128xi32, #tpu.memory_space<vmem>> -> memref<128xi32, #tpu.memory_space<vmem>>
        %dma_wait3A_303 = arith.constant 0 : i32
        %dma_wait3A_304 = arith.constant 0 : i32
        %dma_wait3A_305 = tpu.memref_slice %arg4[%dma_wait3A_303, %dma_wait3A_304] : memref<100000x16xf32, #tpu.memory_space<hbm>> -> memref<100000x16xf32, #tpu.memory_space<hbm>>
        tpu.wait_indirect_dma semaphore(%arg11 : memref<!tpu.dma_semaphore, #tpu.memory_space<semaphore_mem>>) src(%dma_wait3A_305 : memref<100000x16xf32, #tpu.memory_space<hbm>>) dst(%dma_wait3A_299 : memref<128x16xf32, #tpu.memory_space<vmem>>)
        %dma_wait3A_306 = arith.constant 6 : i32
        %dma_wait3A_307 = arith.constant 768 : i32
        %dma_wait3A_308 = arith.constant 0 : i32
        %dma_wait3A_309 = tpu.memref_slice %arg10[%dma_wait3A_307, %dma_wait3A_308] : memref<1024x16xf32, #tpu.memory_space<vmem>> -> memref<128x16xf32, #tpu.memory_space<vmem>>
        %dma_wait3A_310 = arith.constant 0 : i32
        %dma_wait3A_311 = tpu.memref_slice %arg8[%dma_wait3A_306, %dma_wait3A_310] : memref<8x128xi32, #tpu.memory_space<vmem>> -> memref<1x128xi32, #tpu.memory_space<vmem>>
        %dma_wait3A_312 = tpu.memref_squeeze %dma_wait3A_311 : memref<1x128xi32, #tpu.memory_space<vmem>> -> memref<128xi32, #tpu.memory_space<vmem>>
        %dma_wait3A_313 = arith.constant 0 : i32
        %dma_wait3A_314 = arith.constant 0 : i32
        %dma_wait3A_315 = tpu.memref_slice %arg4[%dma_wait3A_313, %dma_wait3A_314] : memref<100000x16xf32, #tpu.memory_space<hbm>> -> memref<100000x16xf32, #tpu.memory_space<hbm>>
        tpu.wait_indirect_dma semaphore(%arg12 : memref<!tpu.dma_semaphore, #tpu.memory_space<semaphore_mem>>) src(%dma_wait3A_315 : memref<100000x16xf32, #tpu.memory_space<hbm>>) dst(%dma_wait3A_309 : memref<128x16xf32, #tpu.memory_space<vmem>>)
        %dma_wait3A_316 = arith.constant 7 : i32
        %dma_wait3A_317 = arith.constant 896 : i32
        %dma_wait3A_318 = arith.constant 0 : i32
        %dma_wait3A_319 = tpu.memref_slice %arg9[%dma_wait3A_317, %dma_wait3A_318] : memref<1024x16xf32, #tpu.memory_space<vmem>> -> memref<128x16xf32, #tpu.memory_space<vmem>>
        %dma_wait3A_320 = arith.constant 0 : i32
        %dma_wait3A_321 = tpu.memref_slice %arg7[%dma_wait3A_316, %dma_wait3A_320] : memref<8x128xi32, #tpu.memory_space<vmem>> -> memref<1x128xi32, #tpu.memory_space<vmem>>
        %dma_wait3A_322 = tpu.memref_squeeze %dma_wait3A_321 : memref<1x128xi32, #tpu.memory_space<vmem>> -> memref<128xi32, #tpu.memory_space<vmem>>
        %dma_wait3A_323 = arith.constant 0 : i32
        %dma_wait3A_324 = arith.constant 0 : i32
        %dma_wait3A_325 = tpu.memref_slice %arg4[%dma_wait3A_323, %dma_wait3A_324] : memref<100000x16xf32, #tpu.memory_space<hbm>> -> memref<100000x16xf32, #tpu.memory_space<hbm>>
        tpu.wait_indirect_dma semaphore(%arg11 : memref<!tpu.dma_semaphore, #tpu.memory_space<semaphore_mem>>) src(%dma_wait3A_325 : memref<100000x16xf32, #tpu.memory_space<hbm>>) dst(%dma_wait3A_319 : memref<128x16xf32, #tpu.memory_space<vmem>>)
        %dma_wait3A_326 = arith.constant 7 : i32
        %dma_wait3A_327 = arith.constant 896 : i32
        %dma_wait3A_328 = arith.constant 0 : i32
        %dma_wait3A_329 = tpu.memref_slice %arg10[%dma_wait3A_327, %dma_wait3A_328] : memref<1024x16xf32, #tpu.memory_space<vmem>> -> memref<128x16xf32, #tpu.memory_space<vmem>>
        %dma_wait3A_330 = arith.constant 0 : i32
        %dma_wait3A_331 = tpu.memref_slice %arg8[%dma_wait3A_326, %dma_wait3A_330] : memref<8x128xi32, #tpu.memory_space<vmem>> -> memref<1x128xi32, #tpu.memory_space<vmem>>
        %dma_wait3A_332 = tpu.memref_squeeze %dma_wait3A_331 : memref<1x128xi32, #tpu.memory_space<vmem>> -> memref<128xi32, #tpu.memory_space<vmem>>
        %dma_wait3A_333 = arith.constant 0 : i32
        %dma_wait3A_334 = arith.constant 0 : i32
        %dma_wait3A_335 = tpu.memref_slice %arg4[%dma_wait3A_333, %dma_wait3A_334] : memref<100000x16xf32, #tpu.memory_space<hbm>> -> memref<100000x16xf32, #tpu.memory_space<hbm>>
        tpu.wait_indirect_dma semaphore(%arg12 : memref<!tpu.dma_semaphore, #tpu.memory_space<semaphore_mem>>) src(%dma_wait3A_335 : memref<100000x16xf32, #tpu.memory_space<hbm>>) dst(%dma_wait3A_329 : memref<128x16xf32, #tpu.memory_space<vmem>>)
        "tpu.region"() ({
          %run_scoped3A = tpu.sem_alloc : memref<!tpu.dma_semaphore, #tpu.memory_space<semaphore_mem>>
          %dma_start3A_336 = arith.constant 0 : i32
          %dma_start3A_337 = tpu.memref_slice %arg5[%mul3A_17, %dma_start3A_336] : memref<1601536x16xf32, #tpu.memory_space<hbm>> -> memref<1024x16xf32, #tpu.memory_space<hbm>>
          %dma_start3A_338 = arith.constant 0 : i32
          %dma_start3A_339 = tpu.memref_slice %arg5[%mul3A_17, %dma_start3A_338] : memref<1601536x16xf32, #tpu.memory_space<hbm>> -> memref<1024x16xf32, #tpu.memory_space<hbm>>
          tpu.enqueue_dma source(%arg9 : memref<1024x16xf32, #tpu.memory_space<vmem>>) target(%dma_start3A_339 : memref<1024x16xf32, #tpu.memory_space<hbm>>) target_semaphore(%run_scoped3A : memref<!tpu.dma_semaphore, #tpu.memory_space<semaphore_mem>>)
          %dma_wait3A_340 = arith.constant 0 : i32
          %dma_wait3A_341 = tpu.memref_slice %arg5[%mul3A_17, %dma_wait3A_340] : memref<1601536x16xf32, #tpu.memory_space<hbm>> -> memref<1024x16xf32, #tpu.memory_space<hbm>>
          %dma_wait3A_342 = arith.constant 0 : i32
          %dma_wait3A_343 = tpu.memref_slice %arg5[%mul3A_17, %dma_wait3A_342] : memref<1601536x16xf32, #tpu.memory_space<hbm>> -> memref<1024x16xf32, #tpu.memory_space<hbm>>
          tpu.wait_dma2 semaphore(%run_scoped3A : memref<!tpu.dma_semaphore, #tpu.memory_space<semaphore_mem>>) src(%arg9 : memref<1024x16xf32, #tpu.memory_space<vmem>>) dst(%dma_wait3A_343 : memref<1024x16xf32, #tpu.memory_space<hbm>>)
          tpu.yield
        }) : () -> ()
        "tpu.region"() ({
          %run_scoped3A = tpu.sem_alloc : memref<!tpu.dma_semaphore, #tpu.memory_space<semaphore_mem>>
          %dma_start3A_336 = arith.constant 0 : i32
          %dma_start3A_337 = tpu.memref_slice %arg6[%mul3A_17, %dma_start3A_336] : memref<1601536x16xf32, #tpu.memory_space<hbm>> -> memref<1024x16xf32, #tpu.memory_space<hbm>>
          %dma_start3A_338 = arith.constant 0 : i32
          %dma_start3A_339 = tpu.memref_slice %arg6[%mul3A_17, %dma_start3A_338] : memref<1601536x16xf32, #tpu.memory_space<hbm>> -> memref<1024x16xf32, #tpu.memory_space<hbm>>
          tpu.enqueue_dma source(%arg10 : memref<1024x16xf32, #tpu.memory_space<vmem>>) target(%dma_start3A_339 : memref<1024x16xf32, #tpu.memory_space<hbm>>) target_semaphore(%run_scoped3A : memref<!tpu.dma_semaphore, #tpu.memory_space<semaphore_mem>>)
          %dma_wait3A_340 = arith.constant 0 : i32
          %dma_wait3A_341 = tpu.memref_slice %arg6[%mul3A_17, %dma_wait3A_340] : memref<1601536x16xf32, #tpu.memory_space<hbm>> -> memref<1024x16xf32, #tpu.memory_space<hbm>>
          %dma_wait3A_342 = arith.constant 0 : i32
          %dma_wait3A_343 = tpu.memref_slice %arg6[%mul3A_17, %dma_wait3A_342] : memref<1601536x16xf32, #tpu.memory_space<hbm>> -> memref<1024x16xf32, #tpu.memory_space<hbm>>
          tpu.wait_dma2 semaphore(%run_scoped3A : memref<!tpu.dma_semaphore, #tpu.memory_space<semaphore_mem>>) src(%arg10 : memref<1024x16xf32, #tpu.memory_space<vmem>>) dst(%dma_wait3A_343 : memref<1024x16xf32, #tpu.memory_space<hbm>>)
          tpu.yield
        }) : () -> ()
      } else {
      }
    }
    %scan3A_5 = arith.constant 49 : i32
    return
  }
}

module attributes {stable_mosaic.version = 14 : i64} {
  func.func @_mlp_body(%arg0: i32, %arg1: memref<4000x128xf32, #tpu.memory_space<vmem>>, %arg2: memref<4000x128xf32, #tpu.memory_space<vmem>>, %arg3: memref<4000x8xf32, #tpu.memory_space<vmem>>, %arg4: memref<4000x8xf32, #tpu.memory_space<vmem>>, %arg5: memref<4000x8xf32, #tpu.memory_space<vmem>>, %arg6: memref<256x240xf32, #tpu.memory_space<vmem>>, %arg7: memref<8x240xf32, #tpu.memory_space<vmem>>, %arg8: memref<240x240xf32, #tpu.memory_space<vmem>>, %arg9: memref<240x240xf32, #tpu.memory_space<vmem>>, %arg10: memref<240x16xf32, #tpu.memory_space<vmem>>, %arg11: memref<1x240xf32, #tpu.memory_space<vmem>>, %arg12: memref<1x240xf32, #tpu.memory_space<vmem>>, %arg13: memref<1x240xf32, #tpu.memory_space<vmem>>, %arg14: memref<1x16xf32, #tpu.memory_space<vmem>>, %arg15: memref<4000x8xf32, #tpu.memory_space<vmem>>) attributes {dimension_semantics = [#tpu.dimension_semantics<arbitrary>], iteration_bounds = array<i64: 50>, scalar_prefetch = 0 : i64, scratch_operands = 0 : i64, tpu.core_type = #tpu.core_type<tc>, window_params = [{transform_indices = @transform_0, window_bounds = array<i64: 4000, 128>}, {transform_indices = @transform_1, window_bounds = array<i64: 4000, 128>}, {transform_indices = @transform_2, window_bounds = array<i64: 4000, 8>}, {transform_indices = @transform_3, window_bounds = array<i64: 4000, 8>}, {transform_indices = @transform_4, window_bounds = array<i64: 4000, 8>}, {pipeline_mode = #tpu.pipeline_mode<synchronous>, transform_indices = @transform_5, window_bounds = array<i64: 256, 240>}, {pipeline_mode = #tpu.pipeline_mode<synchronous>, transform_indices = @transform_6, window_bounds = array<i64: 8, 240>}, {pipeline_mode = #tpu.pipeline_mode<synchronous>, transform_indices = @transform_7, window_bounds = array<i64: 240, 240>}, {pipeline_mode = #tpu.pipeline_mode<synchronous>, transform_indices = @transform_8, window_bounds = array<i64: 240, 240>}, {pipeline_mode = #tpu.pipeline_mode<synchronous>, transform_indices = @transform_9, window_bounds = array<i64: 240, 16>}, {pipeline_mode = #tpu.pipeline_mode<synchronous>, transform_indices = @transform_10, window_bounds = array<i64: 1, 240>}, {pipeline_mode = #tpu.pipeline_mode<synchronous>, transform_indices = @transform_11, window_bounds = array<i64: 1, 240>}, {pipeline_mode = #tpu.pipeline_mode<synchronous>, transform_indices = @transform_12, window_bounds = array<i64: 1, 240>}, {pipeline_mode = #tpu.pipeline_mode<synchronous>, transform_indices = @transform_13, window_bounds = array<i64: 1, 16>}, {transform_indices = @transform_14, window_bounds = array<i64: 4000, 8>}]} {
    %get3A = arith.constant 0 : index
    %get3A_0 = arith.constant 0 : index
    %get3A_1 = vector.load %arg1[%get3A, %get3A_0] : memref<4000x128xf32, #tpu.memory_space<vmem>>, vector<4000x128xf32>
    %get3A_2 = arith.constant 0 : index
    %get3A_3 = arith.constant 0 : index
    %get3A_4 = vector.load %arg2[%get3A_2, %get3A_3] : memref<4000x128xf32, #tpu.memory_space<vmem>>, vector<4000x128xf32>
    %concatenate3A = tpu.concatenate %get3A_1, %get3A_4 in 1 : vector<4000x128xf32>, vector<4000x128xf32> -> vector<4000x256xf32>
    %get3A_5 = arith.constant 0 : index
    %get3A_6 = arith.constant 0 : index
    %get3A_7 = vector.load %arg6[%get3A_5, %get3A_6] : memref<256x240xf32, #tpu.memory_space<vmem>>, vector<256x240xf32>
    %dot_general3A = arith.constant dense<0.000000e+00> : vector<4000x240xf32>
    %dot_general3A_8 = tpu.matmul %concatenate3A, %get3A_7, %dot_general3A {dimension_numbers = #tpu.dot_dimension_numbers<[1], [0], [0], [1], [0, 0, 1, 1], [], []>, transpose_lhs_hint = false} : vector<4000x256xf32>, vector<256x240xf32>, vector<4000x240xf32> -> vector<4000x240xf32>
    %get3A_9 = arith.constant 0 : index
    %get3A_10 = arith.constant 0 : index
    %get3A_11 = vector.load %arg3[%get3A_9, %get3A_10] : memref<4000x8xf32, #tpu.memory_space<vmem>>, vector<4000x8xf32>
    %get3A_12 = arith.constant 0 : index
    %get3A_13 = arith.constant 0 : index
    %get3A_14 = vector.load %arg7[%get3A_12, %get3A_13] : memref<8x240xf32, #tpu.memory_space<vmem>>, vector<8x240xf32>
    %dot_general3A_15 = arith.constant dense<0.000000e+00> : vector<4000x240xf32>
    %dot_general3A_16 = tpu.matmul %get3A_11, %get3A_14, %dot_general3A_15 {dimension_numbers = #tpu.dot_dimension_numbers<[1], [0], [0], [1], [0, 0, 1, 1], [], []>, transpose_lhs_hint = false} : vector<4000x8xf32>, vector<8x240xf32>, vector<4000x240xf32> -> vector<4000x240xf32>
    %add3A = arith.addf %dot_general3A_8, %dot_general3A_16 : vector<4000x240xf32>
    %get3A_17 = arith.constant 0 : index
    %get3A_18 = arith.constant 0 : index
    %get3A_19 = vector.load %arg11[%get3A_17, %get3A_18] : memref<1x240xf32, #tpu.memory_space<vmem>>, vector<1x240xf32>
    %add3A_20 = vector.broadcast %get3A_19 : vector<1x240xf32> to vector<4000x240xf32>
    %add3A_21 = arith.addf %add3A, %add3A_20 : vector<4000x240xf32>
    %max3A = arith.constant 0.000000e+00 : f32
    %max3A_22 = vector.broadcast %max3A : f32 to vector<4000x240xf32>
    %max3A_23 = arith.maximumf %add3A_21, %max3A_22 : vector<4000x240xf32>
    %get3A_24 = arith.constant 0 : index
    %get3A_25 = arith.constant 0 : index
    %get3A_26 = vector.load %arg8[%get3A_24, %get3A_25] : memref<240x240xf32, #tpu.memory_space<vmem>>, vector<240x240xf32>
    %dot_general3A_27 = arith.constant dense<0.000000e+00> : vector<4000x240xf32>
    %dot_general3A_28 = tpu.matmul %max3A_23, %get3A_26, %dot_general3A_27 {dimension_numbers = #tpu.dot_dimension_numbers<[1], [0], [0], [1], [0, 0, 1, 1], [], []>, transpose_lhs_hint = false} : vector<4000x240xf32>, vector<240x240xf32>, vector<4000x240xf32> -> vector<4000x240xf32>
    %get3A_29 = arith.constant 0 : index
    %get3A_30 = arith.constant 0 : index
    %get3A_31 = vector.load %arg12[%get3A_29, %get3A_30] : memref<1x240xf32, #tpu.memory_space<vmem>>, vector<1x240xf32>
    %add3A_32 = vector.broadcast %get3A_31 : vector<1x240xf32> to vector<4000x240xf32>
    %add3A_33 = arith.addf %dot_general3A_28, %add3A_32 : vector<4000x240xf32>
    %max3A_34 = arith.constant 0.000000e+00 : f32
    %max3A_35 = vector.broadcast %max3A_34 : f32 to vector<4000x240xf32>
    %max3A_36 = arith.maximumf %add3A_33, %max3A_35 : vector<4000x240xf32>
    %get3A_37 = arith.constant 0 : index
    %get3A_38 = arith.constant 0 : index
    %get3A_39 = vector.load %arg9[%get3A_37, %get3A_38] : memref<240x240xf32, #tpu.memory_space<vmem>>, vector<240x240xf32>
    %dot_general3A_40 = arith.constant dense<0.000000e+00> : vector<4000x240xf32>
    %dot_general3A_41 = tpu.matmul %max3A_36, %get3A_39, %dot_general3A_40 {dimension_numbers = #tpu.dot_dimension_numbers<[1], [0], [0], [1], [0, 0, 1, 1], [], []>, transpose_lhs_hint = false} : vector<4000x240xf32>, vector<240x240xf32>, vector<4000x240xf32> -> vector<4000x240xf32>
    %get3A_42 = arith.constant 0 : index
    %get3A_43 = arith.constant 0 : index
    %get3A_44 = vector.load %arg13[%get3A_42, %get3A_43] : memref<1x240xf32, #tpu.memory_space<vmem>>, vector<1x240xf32>
    %add3A_45 = vector.broadcast %get3A_44 : vector<1x240xf32> to vector<4000x240xf32>
    %add3A_46 = arith.addf %dot_general3A_41, %add3A_45 : vector<4000x240xf32>
    %max3A_47 = arith.constant 0.000000e+00 : f32
    %max3A_48 = vector.broadcast %max3A_47 : f32 to vector<4000x240xf32>
    %max3A_49 = arith.maximumf %add3A_46, %max3A_48 : vector<4000x240xf32>
    %get3A_50 = arith.constant 0 : index
    %get3A_51 = arith.constant 0 : index
    %get3A_52 = vector.load %arg10[%get3A_50, %get3A_51] : memref<240x16xf32, #tpu.memory_space<vmem>>, vector<240x16xf32>
    %dot_general3A_53 = arith.constant dense<0.000000e+00> : vector<4000x16xf32>
    %dot_general3A_54 = tpu.matmul %max3A_49, %get3A_52, %dot_general3A_53 {dimension_numbers = #tpu.dot_dimension_numbers<[1], [0], [0], [1], [0, 0, 1, 1], [], []>, transpose_lhs_hint = false} : vector<4000x240xf32>, vector<240x16xf32>, vector<4000x16xf32> -> vector<4000x16xf32>
    %get3A_55 = arith.constant 0 : index
    %get3A_56 = arith.constant 0 : index
    %get3A_57 = vector.load %arg14[%get3A_55, %get3A_56] : memref<1x16xf32, #tpu.memory_space<vmem>>, vector<1x16xf32>
    %add3A_58 = vector.broadcast %get3A_57 : vector<1x16xf32> to vector<4000x16xf32>
    %add3A_59 = arith.addf %dot_general3A_54, %add3A_58 : vector<4000x16xf32>
    %get3A_60 = arith.constant 0 : index
    %get3A_61 = arith.constant 0 : index
    %get3A_62 = vector.load %arg4[%get3A_60, %get3A_61] : memref<4000x8xf32, #tpu.memory_space<vmem>>, vector<4000x8xf32>
    %log3A = math.log %get3A_62 : vector<4000x8xf32>
    %neg3A = arith.constant 0.000000e+00 : f32
    %neg3A_63 = vector.broadcast %neg3A : f32 to vector<4000x8xf32>
    %neg3A_64 = arith.subf %neg3A_63, %log3A : vector<4000x8xf32>
    %log3A_65 = math.log %neg3A_64 : vector<4000x8xf32>
    %neg3A_66 = arith.constant 0.000000e+00 : f32
    %neg3A_67 = vector.broadcast %neg3A_66 : f32 to vector<4000x8xf32>
    %neg3A_68 = arith.subf %neg3A_67, %log3A_65 : vector<4000x8xf32>
    %get3A_69 = arith.constant 0 : index
    %get3A_70 = arith.constant 0 : index
    %get3A_71 = vector.load %arg5[%get3A_69, %get3A_70] : memref<4000x8xf32, #tpu.memory_space<vmem>>, vector<4000x8xf32>
    %log3A_72 = math.log %get3A_71 : vector<4000x8xf32>
    %neg3A_73 = arith.constant 0.000000e+00 : f32
    %neg3A_74 = vector.broadcast %neg3A_73 : f32 to vector<4000x8xf32>
    %neg3A_75 = arith.subf %neg3A_74, %log3A_72 : vector<4000x8xf32>
    %log3A_76 = math.log %neg3A_75 : vector<4000x8xf32>
    %neg3A_77 = arith.constant 0.000000e+00 : f32
    %neg3A_78 = vector.broadcast %neg3A_77 : f32 to vector<4000x8xf32>
    %neg3A_79 = arith.subf %neg3A_78, %log3A_76 : vector<4000x8xf32>
    %slice3A = vector.extract_strided_slice %add3A_59 {offsets = [0, 0], sizes = [4000, 8], strides = [1, 1]} : vector<4000x16xf32> to vector<4000x8xf32>
    %add3A_80 = arith.addf %slice3A, %neg3A_68 : vector<4000x8xf32>
    %slice3A_81 = vector.extract_strided_slice %add3A_59 {offsets = [0, 8], sizes = [4000, 8], strides = [1, 1]} : vector<4000x16xf32> to vector<4000x8xf32>
    %add3A_82 = arith.addf %slice3A_81, %neg3A_79 : vector<4000x8xf32>
    %gt3A = arith.cmpf ogt, %add3A_82, %add3A_80 : vector<4000x8xf32>
    %convert_element_type3A = arith.extui %gt3A : vector<4000x8xi1> to vector<4000x8xi32>
    %convert_element_type3A_83 = arith.sitofp %convert_element_type3A : vector<4000x8xi32> to vector<4000x8xf32>
    %swap3A = arith.constant 0 : index
    %swap3A_84 = arith.constant 0 : index
    %swap3A_85 = vector.load %arg15[%swap3A, %swap3A_84] : memref<4000x8xf32, #tpu.memory_space<vmem>>, vector<4000x8xf32>
    tpu.vector_store %arg15[%swap3A, %swap3A_84], %convert_element_type3A_83 {strides = array<i32>} : memref<4000x8xf32, #tpu.memory_space<vmem>>, vector<4000x8xf32>,
    return
  }
  func.func @transform_0(%arg0: i32) -> (i32, i32) {
    %c0_i32 = arith.constant 0 : i32
    %c0_i32_0 = arith.constant 0 : i32
    return %arg0, %c0_i32 : i32, i32
  }
  func.func @transform_1(%arg0: i32) -> (i32, i32) {
    %c0_i32 = arith.constant 0 : i32
    %c0_i32_0 = arith.constant 0 : i32
    return %arg0, %c0_i32 : i32, i32
  }
  func.func @transform_2(%arg0: i32) -> (i32, i32) {
    %c0_i32 = arith.constant 0 : i32
    %c0_i32_0 = arith.constant 0 : i32
    return %arg0, %c0_i32 : i32, i32
  }
  func.func @transform_3(%arg0: i32) -> (i32, i32) {
    %c0_i32 = arith.constant 0 : i32
    %c0_i32_0 = arith.constant 0 : i32
    return %arg0, %c0_i32 : i32, i32
  }
  func.func @transform_4(%arg0: i32) -> (i32, i32) {
    %c0_i32 = arith.constant 0 : i32
    %c0_i32_0 = arith.constant 0 : i32
    return %arg0, %c0_i32 : i32, i32
  }
  func.func @transform_5(%arg0: i32) -> (i32, i32) {
    %c0_i32 = arith.constant 0 : i32
    %c0_i32_0 = arith.constant 0 : i32
    %c0_i32_1 = arith.constant 0 : i32
    return %c0_i32, %c0_i32_0 : i32, i32
  }
  func.func @transform_6(%arg0: i32) -> (i32, i32) {
    %c0_i32 = arith.constant 0 : i32
    %c0_i32_0 = arith.constant 0 : i32
    %c0_i32_1 = arith.constant 0 : i32
    return %c0_i32, %c0_i32_0 : i32, i32
  }
  func.func @transform_7(%arg0: i32) -> (i32, i32) {
    %c0_i32 = arith.constant 0 : i32
    %c0_i32_0 = arith.constant 0 : i32
    %c0_i32_1 = arith.constant 0 : i32
    return %c0_i32, %c0_i32_0 : i32, i32
  }
  func.func @transform_8(%arg0: i32) -> (i32, i32) {
    %c0_i32 = arith.constant 0 : i32
    %c0_i32_0 = arith.constant 0 : i32
    %c0_i32_1 = arith.constant 0 : i32
    return %c0_i32, %c0_i32_0 : i32, i32
  }
  func.func @transform_9(%arg0: i32) -> (i32, i32) {
    %c0_i32 = arith.constant 0 : i32
    %c0_i32_0 = arith.constant 0 : i32
    %c0_i32_1 = arith.constant 0 : i32
    return %c0_i32, %c0_i32_0 : i32, i32
  }
  func.func @transform_10(%arg0: i32) -> (i32, i32) {
    %c0_i32 = arith.constant 0 : i32
    %c0_i32_0 = arith.constant 0 : i32
    %c0_i32_1 = arith.constant 0 : i32
    return %c0_i32, %c0_i32_0 : i32, i32
  }
  func.func @transform_11(%arg0: i32) -> (i32, i32) {
    %c0_i32 = arith.constant 0 : i32
    %c0_i32_0 = arith.constant 0 : i32
    %c0_i32_1 = arith.constant 0 : i32
    return %c0_i32, %c0_i32_0 : i32, i32
  }
  func.func @transform_12(%arg0: i32) -> (i32, i32) {
    %c0_i32 = arith.constant 0 : i32
    %c0_i32_0 = arith.constant 0 : i32
    %c0_i32_1 = arith.constant 0 : i32
    return %c0_i32, %c0_i32_0 : i32, i32
  }
  func.func @transform_13(%arg0: i32) -> (i32, i32) {
    %c0_i32 = arith.constant 0 : i32
    %c0_i32_0 = arith.constant 0 : i32
    %c0_i32_1 = arith.constant 0 : i32
    return %c0_i32, %c0_i32_0 : i32, i32
  }
  func.func @transform_14(%arg0: i32) -> (i32, i32) {
    %c0_i32 = arith.constant 0 : i32
    %c0_i32_0 = arith.constant 0 : i32
    return %arg0, %c0_i32 : i32, i32
  }
}

</mosaic_0001>

<sc_bundles>
// kernel: kernel.4.cloned.1.call-start
scs
__scs_entry_jumppad:
0x0: {  	(pc) =	sbr.rel $0x88, $3  }
0x1: {  	(tag) =	ssettag $0x0;
	lr =	simm.s32 $0x1  }
0x2: {  	[smem:$0x3F95] =	sst lr;
	_ =	strace $0xD0000000  }
0x3: {  	_ = 	snop  }
0x4: {  	_ = 	snop  }
0x5: {  	_ = 	snop  }
0x6: {  	_ = 	snop  }
0x7: {  	_ = 	snop  }
__scs_overlays_trampoline_lowered:
0x8: {  	[smem:$0x3FA4] =	sst s0  }
0x9: {  	[smem:$0x3FA5] =	sst s1  }
0xa: {  	[smem:$0x3FA6] =	sst s2  }
0xb: {  	[smem:$0x3FA7] =	sst s3  }
0xc: {  	[smem:$0x3FA8] =	sst s4  }
0xd: {  	[smem:$0x3FA9] =	sst s5  }
0xe: {  	[smem:$0x3FAA] =	sst s6  }
0xf: {  	[smem:$0x3FAB] =	sst s7  }
0x10: {  	[smem:$0x3FAC] =	sst s8  }
0x11: {  	[smem:$0x3FAD] =	sst s9;
	s0 =	simm.s32 @!p0 $0x0  }
0x12: {  	s1 =	sld [smem:$0x3F93];
	s0 =	simm.s32 @p0 $0x1  }
0x13: {  	[smem:$0x3FAE] =	sst s0;
	s0 =	simm.s32 @!p1 $0x0  }
0x14: {  	s2 =	sld [smem:$0x3F92];
	s0 =	simm.s32 @p1 $0x1  }
0x15: {  	[smem:$0x3FAF] =	sst s0;
	s0 =	simm.s32 @!p2 $0x0  }
0x16: {  	s3 =	sld [smem:$0x3FDB];
	s0 =	simm.s32 @p2 $0x1  }
0x17: {  	s4 =	simm.s32 $0x1BF5;
	[smem:$0x3FB1] =	sst s0  }
0x18: {  	s0 =	sld [smem:$0x3F94];
	_ =	swait.ge [sflag:s4], $0x0  }
0x19: {  	s7 =	sld [smem:$0x3F95]  }
0x1a: {  	s8 =	sadd.s32 $0xFFFFE003, lr  }
0x1b: {  	s9 =	sadd.s32 $0xFFFFFEF7, lr;
	s5 =	simm.s32 $0xFFFFFFFF;
	p2 =	slt.u32 s8, $0xFFFFF086  }
0x1c: {  	p1 =	slt.u32 s9, $0xF7A;
	s5 =	simm.s32 @!p2 $0x0  }
0x1d: {  	s5 =	simm.s32 @p1 $0x1;
	p0 =	seq.s32 s7, s2  }
0x1e: {  	s7 =	smul.u32 @!p0 $0xF7A, s2;
	p2 =	seq.s32 @!p0 s5, $0x0  }
0x1f: {  	s9 =	smul.u32 $0xF7A, s1;
	s8 =	simm.s32 @!p0 $0x1BF5;
	p2 =	por !p2, p0  }
0x20: {  	[sflag:s8] =	ssyncset.s32 @!p0 $0xFFFFF086;
	s6 =	sadd.s32 @!p0 s3, s7;
	s7 =	simm.s32 @!p0 $0x108  }
0x21: {  	s3 =	sadd.s32 s3, s9;
	s6 =	sadd.s32 @!p0 $0x88, s6;
	s7 =	simm.s32 @p2 $0x1082  }
0x22: {  	[simem:s7], [sflag:s8] =	dma.local @!p0 [hbm:s6], $0xF7A  }
0x23: {  	s9 =	sor.u32 $0xD0000000, s2;
	s6 =	simm.s32 $0x108;
	_ =	swait.ge @!p0 [sflag:s8], $0x0  }
0x24: {  	s3 =	sadd.s32 $0x88, s3;
	s6 =	simm.s32 @!p1 $0x1082;
	[sflag:s4] =	ssyncset.s32 $0xFFFFF086  }
0x25: {  	[simem:s6], [sflag:s4] =	dma.local [hbm:s3], $0xF7A  }
0x26: {  	[smem:$0x3F95] =	sst s1;
	(tag) =	ssettag s2;
	_ =	strace s9  }
0x27: {  	s1 =	sld [smem:$0x3FA5]  }
0x28: {  	s2 =	sld [smem:$0x3FA6]  }
0x29: {  	s4 =	sld [smem:$0x3FA8]  }
0x2a: {  	p0 =	seq.s32 s5, $0x0;
	s5 =	sld [smem:$0x3FA9]  }
0x2b: {  	s6 =	sld [smem:$0x3FAA]  }
0x2c: {  	s7 =	sld [smem:$0x3FAB]  }
0x2d: {  	s3 =	simm.s32 $0x108;
	s8 =	sld [smem:$0x3FAC]  }
0x2e: {  	s3 =	simm.s32 @!p0 $0x1082;
	s9 =	sld [smem:$0x3FAD]  }
0x2f: {  	lr =	sadd.s32 s0, s3;
	s0 =	sld [smem:$0x3FA4]  }
0x30: {  	s3 =	sld [smem:$0x3FA7]  }
0x31: {  	[smem:$0x3FB0] =	sst s10  }
0x32: {  	s10 =	sld [smem:$0x3FAE];
	_ =	sdelay $0x3  }
0x33: {  	p0 =	seq.s32 s10, $0x1;
	s10 =	sld [smem:$0x3FB0];
	_ =	sdelay $0x3  }
0x34: {  	[smem:$0x3FB0] =	sst s10  }
0x35: {  	s10 =	sld [smem:$0x3FAF];
	_ =	sdelay $0x3  }
0x36: {  	p1 =	seq.s32 s10, $0x1;
	s10 =	sld [smem:$0x3FB0];
	_ =	sdelay $0x3  }
0x37: {  	[smem:$0x3FB0] =	sst s10  }
0x38: {  	s10 =	sld [smem:$0x3FB1]  }
0x39: {  	_ = 	snop;
	(pc) =	sbr.ind lr, $3  }
0x3a: {  	_ = 	snop  }
0x3b: {  	_ = 	snop  }
0x3c: {  	p2 =	seq.s32 s10, $0x1;
	s10 =	sld [smem:$0x3FB0]  }
0x3d: {  	_ =	shalt  }
0x3e: {  	_ =	shalt  }
0x3f: {  	_ =	shalt  }
0x40: {  	_ =	shalt  }
0x41: {  	_ =	shalt  }
0x42: {  	_ =	shalt  }
0x43: {  	_ =	shalt  }
0x44: {  	_ =	shalt  }
0x45: {  	_ =	shalt  }
0x46: {  	_ =	shalt  }
0x47: {  	_ =	shalt  }
0x48: {  	_ =	shalt  }
0x49: {  	_ =	shalt  }
0x4a: {  	_ =	shalt  }
0x4b: {  	_ =	shalt  }
0x4c: {  	_ =	shalt  }
0x4d: {  	_ =	shalt  }
0x4e: {  	_ =	shalt  }
0x4f: {  	_ =	shalt  }
0x50: {  	_ =	shalt  }
0x51: {  	_ =	shalt  }
0x52: {  	_ =	shalt  }
0x53: {  	_ =	shalt  }
0x54: {  	_ =	shalt  }
0x55: {  	_ =	shalt  }
0x56: {  	_ =	shalt  }
0x57: {  	_ =	shalt  }
0x58: {  	_ =	shalt  }
0x59: {  	_ =	shalt  }
0x5a: {  	_ =	shalt  }
0x5b: {  	_ =	shalt  }
0x5c: {  	_ =	shalt  }
0x5d: {  	_ =	shalt  }
0x5e: {  	_ =	shalt  }
0x5f: {  	_ =	shalt  }
0x60: {  	_ =	shalt  }
0x61: {  	_ =	shalt  }
0x62: {  	_ =	shalt  }
0x63: {  	_ =	shalt  }
0x64: {  	_ =	shalt  }
0x65: {  	_ =	shalt  }
0x66: {  	_ =	shalt  }
0x67: {  	_ =	shalt  }
0x68: {  	_ =	shalt  }
0x69: {  	_ =	shalt  }
0x6a: {  	_ =	shalt  }
0x6b: {  	_ =	shalt  }
0x6c: {  	_ =	shalt  }
0x6d: {  	_ =	shalt  }
0x6e: {  	_ =	shalt  }
0x6f: {  	_ =	shalt  }
0x70: {  	_ =	shalt  }
0x71: {  	_ =	shalt  }
0x72: {  	_ =	shalt  }
0x73: {  	_ =	shalt  }
0x74: {  	_ =	shalt  }
0x75: {  	_ =	shalt  }
0x76: {  	_ =	shalt  }
0x77: {  	_ =	shalt  }
0x78: {  	_ =	shalt  }
0x79: {  	_ =	shalt  }
0x7a: {  	_ =	shalt  }
0x7b: {  	_ =	shalt  }
0x7c: {  	_ =	shalt  }
0x7d: {  	_ =	shalt  }
0x7e: {  	_ =	shalt  }
0x7f: {  	_ =	shalt  }
0x80: {  	_ =	shalt  }
0x81: {  	_ =	shalt  }
0x82: {  	_ =	shalt  }
0x83: {  	_ =	shalt  }
0x84: {  	_ =	shalt  }
0x85: {  	_ =	shalt  }
0x86: {  	_ =	shalt  }
0x87: {  	_ =	shalt  }
.Lfunc_end0:
.L_simem_size_0:
called_computation_lowered:
.L_overlay_start_0:
0x88: {  	s2 =	sld [smem:$0x3FD9]  }
0x89: {  	s3 =	sld [smem:$0x3FFE];
	_ =	sdelay $0x1  }
0x8a: {  	s1 =	srdreg.scid  }
0x8b: {  	s0 =	sand.u32 $0x1, s1  }
0x8c: {  	s16 =	sshll.u32 s0, $0xA;
	s2 =	sadd.s32 s3, s2  }
0x8d: {  	s2 =	sadd.s32 s2, s16  }
0x8e: {  	[smem:$0x3FBC] =	sst s2  }
0x8f: {  	_ = 	snop  }
0x90: {  	(tm) =	ssettm $0x1  }
0x91: {  	s17 =	sld [smem:$0x3FFB];
	_ =	sdelay $0x3  }
0x92: {  	_ =	strace s17  }
0x93: {  	s2 =	sld [smem:$0x3FFC];
	_ =	sdelay $0x3  }
0x94: {  	_ =	strace s2  }
0x95: {  	s2 =	sld [smem:$0x3FFD];
	_ =	sdelay $0x3  }
0x96: {  	_ =	strace s2  }
0x97: {  	_ =	strace $0x8FFFFFFF  }
0x98: {  	s18 =	sld [smem:$0x3FDB];
	_ =	sdelay $0x1  }
0x99: {  	s19 =	simm.s32 $_scs_section_size  }
0x9a: {  	s4 =	simm.s32 $_size__tile_overlayer_lowered;
	s5 =	simm.s32 $_tile_overlayer_lowered  }
0x9b: {  	s22 =	simm.s32 $0x1BFF;
	s21 =	sshll.u32 s5, $0x1;
	s2 =	sadd.s32 s19, s18  }
0x9c: {  	s6 =	simm.s32 $0x0;
	s20 =	sshll.u32 s4, $0x1;
	s4 =	sadd.s32 s21, s2  }
0x9d: {  	[timem:s6], [sflag:s22] =	dma.local [hbm:s4], s20  }
0x9e: {  	_ =	swait.ge [sflag:s22], s20  }
0x9f: {  	s3 =	ssub.s32 $0x0, s20;
	[sflag:s22] =	ssyncset.done $0x0  }
0xa0: {  	[sflag:s22] =	ssyncadd.s32 s3;
	_ =	sdelay $0x1  }
0xa1: {  	s23 =	simm.s32 $0x1B8B  }
0xa2: {  	_ =	swait.ge [sflag:s23], $0x1  }
0xa3: {  	[sflag:s23] =	ssyncset.done $0x0  }
0xa4: {  	s25 =	simm.s32 $0x1B8E;
	s24 =	sld [smem:$0x3FFE];
	[sflag:s23] =	ssyncadd.s32 $0xFFFFFFFF  }
0xa5: {  	s26 =	simm.s32 $execute0_lowered;
	[smem:$0x3FD2] =	sst s25  }
0xa6: {  	s4 =	sshll.u32 s26, $0x1;
	_ =	strace $0x80000046;
	[dreg:$0x1] =	wrdreg $0xFFFFFFFF  }
0xa7: {  	s28 =	simm.s32 $_size_execute0_lowered;
	s2 =	sadd.s32 s2, s4;
	[dreg:$0x0] =	wrdreg $0x0  }
0xa8: {  	s4 =	sshll.u32 s28, $0x1;
	[dreg:$0x2] =	wrdreg s2  }
0xa9: {  	[dreg:$0x3] =	wrdreg s4  }
0xaa: {  	[dreg:$0x4] =	wrdreg $0xC0  }
0xab: {  	_ =	task [dreg:s6], $0x5FFFF  }
0xac: {  	[dreg:$0x1] =	wrdreg $0xFFFFFFFF  }
0xad: {  	[dreg:$0x0] =	wrdreg $0x60  }
0xae: {  	[dreg:$0x2] =	wrdreg s24  }
0xaf: {  	[dreg:$0x3] =	wrdreg $0x9  }
0xb0: {  	_ =	task.clear_ibuf [dreg:s6], $0x4FFFF;
	_ =	strace $0x90000046  }
0xb1: {  	s29 =	simm.s32 $0x9;
	_ =	strace $0x80000048  }
0xb2: {  	_ =	swait.ge [sflag:s29], $0x1  }
0xb3: {  	[sflag:s29] =	ssyncadd.s32 $0xFFFFFFFF  }
0xb4: {  	_ =	strace $0x90000048  }
0xb5: {  	_ =	sfence  }
0xb6: {  	s30 =	sld [smem:$0x0];
	_ =	sdelay $0x2  }
0xb7: {  	s31 =	sshll.u32 s1, $0xD;
	s1 =	sshrl.u32 s1, $0x2  }
0xb8: {  	s3 =	sand.u32 $0x4000, s31;
	s1 =	sadd.s32 s1, s30  }
0xb9: {  	s0 =	sor.u32 s3, s0;
	s1 =	sshll.u32 s1, $0x11  }
0xba: {  	s0 =	sor.u32 s1, s0  }
0xbb: {  	s0 =	sadd.s32 $0x8F2B, s0  }
0xbc: {  	[sflag:s0] =	ssyncadd.remote.s32 $0x1  }
0xbd: {  	_ =	sfence.sel $0xFFFF  }
0xbe: {  	[dreg:$0x0] =	wrdreg $0xFFFFFFFF;
	(pc) =	sbr.abs _section_cstart, $3  }
0xbf: {  	[dreg:$0x1] =	wrdreg $0xFFFFFFFF  }
0xc0: {  	_ =	task.clear_ibuf [dreg:s6], $0x2FFFF;
	_ =	strace $0x9FFFFFFF  }
0xc1: {  	(tm) =	ssettm $0x7FFFFFFF  }
tec
execute0_lowered:
.L_overlay_start_1:
0x0: {  	(tag) =	ssettag $0x1  }
0x1: {  	s0 =	rddreg [dreg:$0x0]  }
0x2: {  	s2 =	simm.s32 $0x0;
	s8 =	stileid.u32;
	s1 =	srdreg.scid  }
0x3: {  	s10 =	simm.s32 $0x4;
	s11 =	simm.s32 $0x400;
	s12 =	simm.s32 $0x80  }
0x4: {  	s13 =	simm.s32 $0x800;
	s14 =	simm.s32 $0x4800;
	s30 =	simm.s32 $0x6800  }
0x5: {  	s31 =	simm.s32 $0x280;
	s9 =	simm.s32 $0x700;
	s15 =	simm.s32 $0x7800  }
0x6: {  	s16 =	simm.s32 $0x380;
	s17 =	simm.s32 $0x4000;
	s18 =	simm.s32 $0x780  }
0x7: {  	s19 =	simm.s32 $0x8000;
	s20 =	simm.s32 $0x1;
	s21 =	simm.s32 $0x2  }
0x8: {  	s22 =	simm.s32 $0x3;
	s24 =	simm.s32 $0x0;
	[smem:$0x7FF] =	sst s2  }
0x9: {  	s3 =	sshll.u32 s8, $0x8;
	s1 =	sand.u32 $0x1, s1;
	s6 =	sshll.u32 s8, $0xC  }
0xa: {  	s29 =	sshll.u32 s8, $0x1;
	s8 =	simm.s32 $0x3800;
	_ =	strace $0x80000047  }
0xb: {  	s4 =	sadd.s32 s3, s0;
	s5 =	ssub.s32 $0x2, s1;
	s3 =	sadd.s32 $0x63600, s0  }
0xc: {  	s0 =	sadd.s32 s6, s0;
	s28 =	sshll.u32 s1, $0x7;
	[dreg:$0x2] =	wrdreg s29  }
0xd: {  	s1 =	sshll.u32 s1, $0xB;
	s7 =	sshrl.u32 s5, $0x1;
	s4 =	sadd.s32 s28, s4  }
.Ltmp0:
0xe: {  	s0 =	sadd.s32 s1, s0;
	s5 =	ssub.s32 s5, s7;
	(pc) =	sbr.rel .LBB2_1-.Ltmp0, $4  }
0xf: {  	s6 =	sadd.s32 $0x1A00, s4;
	s7 =	sadd.s32 $0x32800, s4;
	s1 =	sadd.s32 $0x3A2400, s0  }
0x10: {  	s0 =	sadd.s32 $0x94400, s0;
	s4 =	simm.s32 $0x7000;
	[dreg:$0x4] =	wrdreg s1  }
0x11: {  	s5 =	smax.u32 s5, $0x1;
	[dreg:$0x5] =	wrdreg s0;
	s0 =	simm.s32 $0x3000  }
0x12: {  	s1 =	simm.s32 $0x680;
	[dreg:$0x3] =	wrdreg s5;
	s5 =	simm.s32 $0x300  }
.LBB2_5:
0x13: {  	s24 =	rddreg [dreg:$0x6]  }
0x14: {  	s23 =	rddreg [dreg:$0x3];
	s24 =	sadd.s32 $0x1, s24  }
0x15: {  	p0 =	sne.s32 s24, s23  }
.Ltmp1:
0x16: {  	_ = 	snop;
	(pc) =	sbr.rel @!p0 .LBB2_6-.Ltmp1, $1  }
0x17: {  	_ =	sdelay $0x3  }
.LBB2_1:
.Ltmp2:
0x18: {  	(pc) =	sbr.rel .LBB2_2-.Ltmp2, $4  }
0x19: {  	[dreg:$0x6] =	wrdreg s24  }
0x1a: {  	s24 =	rddreg [dreg:$0x2]  }
0x1b: {  	s25 =	rddreg [dreg:$0x5]  }
0x1c: {  	s26 =	rddreg [dreg:$0x4];
	s23 =	simm.s32 $0x0  }
.LBB2_4:
0x1d: {  	s23 =	sadd.s32 $0x1000, s23  }
0x1e: {  	p0 =	sne.s32 s23, $0x31000  }
.Ltmp3:
0x1f: {  	_ = 	snop;
	(pc) =	sbr.rel @!p0 .LBB2_5-.Ltmp3, $2  }
0x20: {  	_ =	sdelay $0x2  }
0x21: {  	s26 =	sadd.s32 $0x10000, s26;
	s25 =	sadd.s32 $0x10000, s25;
	s24 =	sadd.s32 $0x20, s24  }
.LBB2_2:
0x22: {  	p0 =	sgt.u32 s24, $0x61B  }
.Ltmp4:
0x23: {  	_ = 	snop;
	(pc) =	sbr.rel @p0 .LBB2_4-.Ltmp4, $1  }
0x24: {  	_ =	sdelay $0x3  }
0x25: {  	s28 =	sadd.s32 s23, s7  }
0x26: {  	[tilespmem:s2], [sflag:$0x4] =	stream.linear.gather [hbm4b:s28+s2], $0x400, $0x38;
	[tilespmem:$0x8800] =	vst v63  }
0x27: {  	_ =	swait.ge [sflag:s10], $0x400  }
0x28: {  	[sflag:s10] =	ssyncset.done $0x0  }
0x29: {  	s29 =	sadd.s32 s23, s6;
	[sflag:s10] =	ssyncadd.s32 $0xFFFFFC00  }
0x2a: {  	[tilespmem:s11], [sflag:$0x4] =	stream.linear.gather [hbm4b:s29+s2], $0x400, $0x38;
	[tilespmem:$0x8800] =	vst v63  }
0x2b: {  	_ =	swait.ge [sflag:s10], $0x400  }
0x2c: {  	[sflag:s10] =	ssyncset.done $0x0  }
0x2d: {  	[sflag:s10] =	ssyncadd.s32 $0xFFFFFC00  }
0x2e: {  	[tilespmem:s13], [sflag:$0x1] =	stream.indirect.gather [hbm4b:s3+s12], $0x10, s2, s12, $0xb8;
	[tilespmem:$0x8800] =	vst v63  }
0x2f: {  	_ = 	snop  }
0x30: {  	[tilespmem:s14], [sflag:$0x2] =	stream.indirect.gather [hbm4b:s3+s12], $0x10, s11, s12, $0xb8;
	[tilespmem:$0x8800] =	vst v63  }
0x31: {  	s29 =	simm.s32 $0x1000  }
0x32: {  	[tilespmem:s29], [sflag:$0x1] =	stream.indirect.gather [hbm4b:s3+s12], $0x10, s12, s12, $0xb8;
	[tilespmem:$0x8800] =	vst v63  }
0x33: {  	s28 =	simm.s32 $0x480;
	s29 =	simm.s32 $0x5000  }
0x34: {  	[tilespmem:s29], [sflag:$0x2] =	stream.indirect.gather [hbm4b:s3+s12], $0x10, s28, s12, $0xb8;
	[tilespmem:$0x8800] =	vst v63  }
0x35: {  	s28 =	simm.s32 $0x100;
	s29 =	simm.s32 $0x1800  }
0x36: {  	[tilespmem:s29], [sflag:$0x1] =	stream.indirect.gather [hbm4b:s3+s12], $0x10, s28, s12, $0xb8;
	[tilespmem:$0x8800] =	vst v63  }
0x37: {  	s28 =	simm.s32 $0x500;
	s29 =	simm.s32 $0x5800  }
0x38: {  	[tilespmem:s29], [sflag:$0x2] =	stream.indirect.gather [hbm4b:s3+s12], $0x10, s28, s12, $0xb8;
	[tilespmem:$0x8800] =	vst v63  }
0x39: {  	s28 =	simm.s32 $0x180;
	s29 =	simm.s32 $0x2000  }
0x3a: {  	[tilespmem:s29], [sflag:$0x1] =	stream.indirect.gather [hbm4b:s3+s12], $0x10, s28, s12, $0xb8;
	[tilespmem:$0x8800] =	vst v63  }
0x3b: {  	s28 =	simm.s32 $0x580;
	s29 =	simm.s32 $0x6000  }
0x3c: {  	[tilespmem:s29], [sflag:$0x2] =	stream.indirect.gather [hbm4b:s3+s12], $0x10, s28, s12, $0xb8;
	[tilespmem:$0x8800] =	vst v63  }
0x3d: {  	s28 =	simm.s32 $0x200;
	s29 =	simm.s32 $0x2800  }
0x3e: {  	[tilespmem:s29], [sflag:$0x1] =	stream.indirect.gather [hbm4b:s3+s12], $0x10, s28, s12, $0xb8;
	[tilespmem:$0x8800] =	vst v63  }
0x3f: {  	s29 =	simm.s32 $0x600  }
0x40: {  	[tilespmem:s30], [sflag:$0x2] =	stream.indirect.gather [hbm4b:s3+s12], $0x10, s29, s12, $0xb8;
	[tilespmem:$0x8800] =	vst v63  }
0x41: {  	_ = 	snop  }
0x42: {  	[tilespmem:s0], [sflag:$0x1] =	stream.indirect.gather [hbm4b:s3+s12], $0x10, s31, s12, $0xb8;
	[tilespmem:$0x8800] =	vst v63  }
0x43: {  	_ = 	snop  }
0x44: {  	[tilespmem:s4], [sflag:$0x2] =	stream.indirect.gather [hbm4b:s3+s12], $0x10, s1, s12, $0xb8;
	[tilespmem:$0x8800] =	vst v63  }
0x45: {  	_ = 	snop  }
0x46: {  	[tilespmem:s8], [sflag:$0x1] =	stream.indirect.gather [hbm4b:s3+s12], $0x10, s5, s12, $0xb8;
	[tilespmem:$0x8800] =	vst v63  }
0x47: {  	_ = 	snop  }
0x48: {  	[tilespmem:s15], [sflag:$0x2] =	stream.indirect.gather [hbm4b:s3+s12], $0x10, s9, s12, $0xb8;
	[tilespmem:$0x8800] =	vst v63  }
0x49: {  	_ = 	snop  }
0x4a: {  	[tilespmem:s17], [sflag:$0x1] =	stream.indirect.gather [hbm4b:s3+s12], $0x10, s16, s12, $0xb8;
	[tilespmem:$0x8800] =	vst v63  }
0x4b: {  	_ = 	snop  }
0x4c: {  	[tilespmem:s19], [sflag:$0x2] =	stream.indirect.gather [hbm4b:s3+s12], $0x10, s18, s12, $0xb8;
	[tilespmem:$0x8800] =	vst v63  }
0x4d: {  	_ =	swait.ge [sflag:s20], $0x800  }
0x4e: {  	[sflag:s20] =	ssyncset.done $0x0  }
0x4f: {  	[sflag:s20] =	ssyncadd.s32 $0xFFFFF800  }
0x50: {  	_ =	swait.ge [sflag:s21], $0x800  }
0x51: {  	[sflag:s21] =	ssyncset.done $0x0  }
0x52: {  	[sflag:s21] =	ssyncadd.s32 $0xFFFFF800  }
0x53: {  	_ =	swait.ge [sflag:s20], $0x800  }
0x54: {  	[sflag:s20] =	ssyncset.done $0x0  }
0x55: {  	[sflag:s20] =	ssyncadd.s32 $0xFFFFF800  }
0x56: {  	_ =	swait.ge [sflag:s21], $0x800  }
0x57: {  	[sflag:s21] =	ssyncset.done $0x0  }
0x58: {  	[sflag:s21] =	ssyncadd.s32 $0xFFFFF800  }
0x59: {  	_ =	swait.ge [sflag:s20], $0x800  }
0x5a: {  	[sflag:s20] =	ssyncset.done $0x0  }
0x5b: {  	[sflag:s20] =	ssyncadd.s32 $0xFFFFF800  }
0x5c: {  	_ =	swait.ge [sflag:s21], $0x800  }
0x5d: {  	[sflag:s21] =	ssyncset.done $0x0  }
0x5e: {  	[sflag:s21] =	ssyncadd.s32 $0xFFFFF800  }
0x5f: {  	_ =	swait.ge [sflag:s20], $0x800  }
0x60: {  	[sflag:s20] =	ssyncset.done $0x0  }
0x61: {  	[sflag:s20] =	ssyncadd.s32 $0xFFFFF800  }
0x62: {  	_ =	swait.ge [sflag:s21], $0x800  }
0x63: {  	[sflag:s21] =	ssyncset.done $0x0  }
0x64: {  	[sflag:s21] =	ssyncadd.s32 $0xFFFFF800  }
0x65: {  	_ =	swait.ge [sflag:s20], $0x800  }
0x66: {  	[sflag:s20] =	ssyncset.done $0x0  }
0x67: {  	[sflag:s20] =	ssyncadd.s32 $0xFFFFF800  }
0x68: {  	_ =	swait.ge [sflag:s21], $0x800  }
0x69: {  	[sflag:s21] =	ssyncset.done $0x0  }
0x6a: {  	[sflag:s21] =	ssyncadd.s32 $0xFFFFF800  }
0x6b: {  	_ =	swait.ge [sflag:s20], $0x800  }
0x6c: {  	[sflag:s20] =	ssyncset.done $0x0  }
0x6d: {  	[sflag:s20] =	ssyncadd.s32 $0xFFFFF800  }
0x6e: {  	_ =	swait.ge [sflag:s21], $0x800  }
0x6f: {  	[sflag:s21] =	ssyncset.done $0x0  }
0x70: {  	[sflag:s21] =	ssyncadd.s32 $0xFFFFF800  }
0x71: {  	_ =	swait.ge [sflag:s20], $0x800  }
0x72: {  	[sflag:s20] =	ssyncset.done $0x0  }
0x73: {  	[sflag:s20] =	ssyncadd.s32 $0xFFFFF800  }
0x74: {  	_ =	swait.ge [sflag:s21], $0x800  }
0x75: {  	[sflag:s21] =	ssyncset.done $0x0  }
0x76: {  	[sflag:s21] =	ssyncadd.s32 $0xFFFFF800  }
0x77: {  	_ =	swait.ge [sflag:s20], $0x800  }
0x78: {  	[sflag:s20] =	ssyncset.done $0x0  }
0x79: {  	[sflag:s20] =	ssyncadd.s32 $0xFFFFF800  }
0x7a: {  	_ =	swait.ge [sflag:s21], $0x800  }
0x7b: {  	[sflag:s21] =	ssyncset.done $0x0  }
0x7c: {  	[sflag:s21] =	ssyncadd.s32 $0xFFFFF800  }
0x7d: {  	[hbm4b:s25+s2] =	stream.linear.scatter [tilespmem:s13], [sflag:$0x4], $0x4000, $0x38;
	[tilespmem:$0x8800] =	vst v63  }
0x7e: {  	_ =	swait.ge [sflag:s10], $0x4000  }
0x7f: {  	[sflag:s10] =	ssyncset.done $0x0  }
.Ltmp5:
0x80: {  	[sflag:s10] =	ssyncadd.s32 $0xFFFFC000;
	(pc) =	sbr.rel .LBB2_4-.Ltmp5, $4  }
0x81: {  	[hbm4b:s26+s2] =	stream.linear.scatter [tilespmem:s14], [sflag:$0x3], $0x4000, $0x38;
	[tilespmem:$0x8800] =	vst v63  }
0x82: {  	_ =	swait.ge [sflag:s22], $0x4000  }
0x83: {  	[sflag:s22] =	ssyncset.done $0x0  }
0x84: {  	[sflag:s22] =	ssyncadd.s32 $0xFFFFC000  }
.LBB2_6:
0x85: {  	_ =	sfence.sel $0x180000  }
0x86: {  	[bflag:$0x0] =	sbarrier.arrive $0xFFFF  }
0x87: {  	_ =	strace $0x90000047  }
0x88: {  	s0 =	stileid.u32;
	[bflag:$0x2] =	sbarrier.arrive $0xFFFF  }
0x89: {  	p0 =	sne.s32 s0, $0x0;
	s0 =	rddreg [dreg:$0x1]  }
0x8a: {  	s0 =	sadd.s32 @!p0 $0x100000, s0  }
0x8b: {  	[sflag:s0] =	ssyncadd.tile.s32 @!p0 $0x1;
	_ =	shalt  }
.Lfunc_end2:
_tile_overlayer_lowered:
.L_overlay_start_2:
0x8c: {  	(tag) =	ssettag $0x2  }
0x8d: {  	s0 =	rddreg [dreg:$0x0];
	s2 =	stileid.u32  }
0x8e: {  	s1 =	rddreg [dreg:$0x1];
	p0 =	sne.s32 s2, $0x0  }
0x8f: {  	s3 =	rddreg [dreg:$0x2];
	[bflag:$0x3] =	sbarrier.arrive $0xFFFF;
	s2 =	simm.s32 @!p0 $0x1C03  }
0x90: {  	[timem:s3], [sflag:s2] =	dma.local @!p0 [hbm:s0], s1  }
0x91: {  	s0 =	simm.s32 @!p0 $0x3  }
0x92: {  	_ =	swait.ge @!p0 [sflag:s0], s1  }
0x93: {  	s1 =	ssub.s32 @!p0 $0x0, s1;
	[sflag:s0] =	ssyncset.done @!p0 $0x0  }
0x94: {  	[sflag:s0] =	ssyncadd.s32 @!p0 s1  }
0x95: {  	[bflag:$0x3] =	sbarrier.arrive $0xFFFF  }
0x96: {  	_ =	shalt  }

</sc_bundles>
